<compile_context>
chip_gen: v7x
topology: tpu7x:2x2x1
jax: 0.10.2.dev20260603
libtpu: 0.0.44.dev20260713+nightly
codegen_flags: <defaults>
</compile_context>

<pallas_src>
import functools

import jax
import jax.numpy as jnp
from jax import lax
from jax.experimental import pallas as pl
from jax.experimental.pallas import tpu as pltpu
from jax.experimental.pallas import tpu_sc as plsc

T = 2048
H = 1024
E = 16
I = 2816
IT = 1408
NI = I // IT
BLK = 128
NBLK = 48
NROWS = NBLK * BLK
NC = 2
NS = 16
NW = NC * NS
TPW = T // NW
CH = 32


def _routing_body(logits_ref, p0_ref, p1_ref, ws0_ref, ws1_ref, sb_ref, nb_ref):
    lg = logits_ref[...]
    col = lax.broadcasted_iota(jnp.int32, (T, E), 1)
    big = jnp.int32(10**9)
    m1 = jnp.max(lg, axis=1, keepdims=True)
    a1 = jnp.min(jnp.where(lg == m1, col, big), axis=1, keepdims=True)
    lg2 = jnp.where(col == a1, jnp.float32(-1e30), lg)
    m2 = jnp.max(lg2, axis=1, keepdims=True)
    a2 = jnp.min(jnp.where(lg2 == m2, col, big), axis=1, keepdims=True)
    w0 = jax.nn.sigmoid(m1 - m2)
    w1 = 1.0 - w0

    oh = (col == a1).astype(jnp.float32) + (col == a2).astype(jnp.float32)
    r128 = lax.broadcasted_iota(jnp.int32, (128, 128), 0)
    c128 = lax.broadcasted_iota(jnp.int32, (128, 128), 1)
    tril = (r128 > c128).astype(jnp.float32)
    chunks = []
    carry = jnp.zeros((1, E), jnp.float32)
    for k in range(T // 128):
        ch = oh[k * 128:(k + 1) * 128, :]
        chunks.append(jnp.dot(tril, ch, preferred_element_type=jnp.float32) + carry)
        carry = carry + jnp.sum(ch, axis=0, keepdims=True)
    cum = jnp.concatenate(chunks, axis=0)
    counts = carry
    nblk_e = jnp.floor((counts + 127.0) / 128.0)
    r16 = lax.broadcasted_iota(jnp.int32, (E, E), 0)
    c16 = lax.broadcasted_iota(jnp.int32, (E, E), 1)
    upper = (r16 < c16).astype(jnp.float32)
    sb = jnp.dot(nblk_e, upper, preferred_element_type=jnp.float32)
    start = sb * float(BLK)
    pos = jnp.broadcast_to(start, (T, E)) + cum
    p0 = jnp.sum(jnp.where(col == a1, pos, 0.0), axis=1, keepdims=True)
    p1 = jnp.sum(jnp.where(col == a2, pos, 0.0), axis=1, keepdims=True)
    p0_ref[...] = p0.astype(jnp.int32)
    p1_ref[...] = p1.astype(jnp.int32)
    ws0_ref[...] = jnp.broadcast_to(w0, (T, E))
    ws1_ref[...] = jnp.broadcast_to(w1, (T, E))
    sb_ref[...] = jnp.broadcast_to(sb.astype(jnp.int32), (8, E))
    nb_ref[...] = jnp.broadcast_to(nblk_e.astype(jnp.int32), (8, E))


def _routing(router_logits):
    return pl.pallas_call(
        _routing_body,
        out_shape=[
            jax.ShapeDtypeStruct((T, 1), jnp.int32),
            jax.ShapeDtypeStruct((T, 1), jnp.int32),
            jax.ShapeDtypeStruct((T, E), jnp.float32),
            jax.ShapeDtypeStruct((T, E), jnp.float32),
            jax.ShapeDtypeStruct((8, E), jnp.int32),
            jax.ShapeDtypeStruct((8, E), jnp.int32),
        ],
    )(router_logits)


def _dispatch(x, p0, p1):
    mesh = plsc.VectorSubcoreMesh(core_axis_name="c", subcore_axis_name="s")

    @functools.partial(
        pl.kernel,
        mesh=mesh,
        out_type=jax.ShapeDtypeStruct((NROWS, H), jnp.float32),
        scratch_types=[
            pltpu.VMEM((TPW,), jnp.int32),
            pltpu.VMEM((TPW,), jnp.int32),
            pltpu.VMEM((TPW, H), jnp.float32),
        ],
    )
    def k(x_hbm, p0_hbm, p1_hbm, xs_hbm, i0_v, i1_v, rows_v):
        wid = lax.axis_index("s") * NC + lax.axis_index("c")
        base = pl.multiple_of(wid * TPW, TPW)
        pltpu.sync_copy(p0_hbm.at[pl.ds(base, TPW)], i0_v)
        pltpu.sync_copy(p1_hbm.at[pl.ds(base, TPW)], i1_v)
        pltpu.sync_copy(x_hbm.at[pl.ds(base, TPW)], rows_v)
        pltpu.sync_copy(rows_v, xs_hbm.at[i0_v])
        pltpu.sync_copy(rows_v, xs_hbm.at[i1_v])

    return k(x, p0, p1)


MAXB = T // BLK


def _mm_body(sb_ref, nb_ref, xs_ref, wg_ref, wu_ref, w2_ref, ys_ref,
             xb_ref, acc_ref, xsem, fsem):
    e = pl.program_id(0)
    i = pl.program_id(1)

    s0 = sb_ref[e]
    nb = nb_ref[e]

    @pl.when(nb > 0)
    def _():
        pltpu.make_async_copy(
            xs_ref.at[pl.ds(s0 * BLK, BLK), :], xb_ref.at[0], xsem).start()

    def blk(j, carry):
        buf = lax.rem(j, 2)
        pltpu.make_async_copy(
            xs_ref.at[pl.ds((s0 + j) * BLK, BLK), :], xb_ref.at[buf],
            xsem).wait()

        @pl.when(j + 1 < nb)
        def _():
            pltpu.make_async_copy(
                xs_ref.at[pl.ds((s0 + j + 1) * BLK, BLK), :],
                xb_ref.at[1 - buf], xsem).start()

        x = xb_ref[buf]
        g = jnp.dot(x, wg_ref[0], preferred_element_type=jnp.float32)
        u = jnp.dot(x, wu_ref[0], preferred_element_type=jnp.float32)
        h = g * jax.nn.sigmoid(g) * u
        contrib = jnp.dot(h, w2_ref[0], preferred_element_type=jnp.float32)
        asl = pl.ds(j * BLK, BLK)

        @pl.when(i == 0)
        def _():
            acc_ref[asl, :] = contrib

        @pl.when(i > 0)
        def _():
            acc_ref[asl, :] += contrib

        return carry

    lax.fori_loop(0, nb, blk, 0)

    @pl.when(i == NI - 1)
    def _():
        def flush(j, carry):
            pltpu.make_async_copy(
                acc_ref.at[pl.ds(j * BLK, BLK), :],
                ys_ref.at[pl.ds((s0 + j) * BLK, BLK), :], fsem).start()
            return carry

        lax.fori_loop(0, nb, flush, 0)

        def drain(j, carry):
            pltpu.make_async_copy(
                acc_ref.at[pl.ds(0, BLK), :],
                ys_ref.at[pl.ds(0, BLK), :], fsem).wait()
            return carry

        lax.fori_loop(0, nb, drain, 0)


def _grouped_mm(sbr, nbe, xs, w13, w2):
    grid_spec = pltpu.PrefetchScalarGridSpec(
        num_scalar_prefetch=2,
        grid=(E, NI),
        in_specs=[
            pl.BlockSpec(memory_space=pl.ANY),
            pl.BlockSpec((1, H, IT), lambda e, i, sb, nb: (e, 0, i)),
            pl.BlockSpec((1, H, IT), lambda e, i, sb, nb: (e, 0, NI + i)),
            pl.BlockSpec((1, IT, H), lambda e, i, sb, nb: (e, i, 0)),
        ],
        out_specs=pl.BlockSpec(memory_space=pl.ANY),
        scratch_shapes=[
            pltpu.VMEM((2, BLK, H), jnp.float32),
            pltpu.VMEM((T, H), jnp.float32),
            pltpu.SemaphoreType.DMA,
            pltpu.SemaphoreType.DMA,
        ],
    )
    return pl.pallas_call(
        _mm_body,
        grid_spec=grid_spec,
        out_shape=jax.ShapeDtypeStruct((NROWS, H), jnp.float32),
        compiler_params=pltpu.CompilerParams(
            dimension_semantics=("arbitrary", "arbitrary"),
            vmem_limit_bytes=63 * 1024 * 1024),
    )(sbr, nbe, xs, w13, w13, w2)


def _combine(ys, p0, p1, ws0, ws1):
    mesh = plsc.VectorSubcoreMesh(core_axis_name="c", subcore_axis_name="s")

    @functools.partial(
        pl.kernel,
        mesh=mesh,
        out_type=jax.ShapeDtypeStruct((T, H), jnp.float32),
        scratch_types=[
            pltpu.VMEM((CH,), jnp.int32),
            pltpu.VMEM((CH,), jnp.int32),
            pltpu.VMEM((CH, H), jnp.float32),
            pltpu.VMEM((CH, H), jnp.float32),
            pltpu.VMEM((CH, E), jnp.float32),
            pltpu.VMEM((CH, E), jnp.float32),
        ],
    )
    def k(ys_hbm, p0_hbm, p1_hbm, ws0_hbm, ws1_hbm, out_hbm,
          i0_v, i1_v, r0_v, r1_v, w0_v, w1_v):
        wid = lax.axis_index("s") * NC + lax.axis_index("c")
        base = pl.multiple_of(wid * TPW, TPW)

        @pl.loop(0, TPW // CH)
        def _(cix):
            cbase = pl.multiple_of(base + cix * CH, CH)
            pltpu.sync_copy(p0_hbm.at[pl.ds(cbase, CH)], i0_v)
            pltpu.sync_copy(p1_hbm.at[pl.ds(cbase, CH)], i1_v)
            pltpu.sync_copy(ws0_hbm.at[pl.ds(cbase, CH)], w0_v)
            pltpu.sync_copy(ws1_hbm.at[pl.ds(cbase, CH)], w1_v)
            pltpu.sync_copy(ys_hbm.at[i0_v], r0_v)
            pltpu.sync_copy(ys_hbm.at[i1_v], r1_v)

            @pl.loop(0, CH)
            def _(r):
                w0c = w0_v[r]
                w1c = w1_v[r]

                @pl.loop(0, H // E)
                def _(c):
                    slc = pl.ds(c * E, E)
                    r0_v[r, slc] = r0_v[r, slc] * w0c + r1_v[r, slc] * w1c

            pltpu.sync_copy(r0_v, out_hbm.at[pl.ds(cbase, CH)])

    return k(ys, p0, p1, ws0, ws1)


def kernel(hidden_states, router_logits, w13, w2):
    p0c, p1c, ws0, ws1, sbo, nbo = _routing(router_logits)
    p0 = p0c.reshape(T)
    p1 = p1c.reshape(T)
    sbr = sbo[0]
    nbe = nbo[0]
    xs = _dispatch(hidden_states, p0, p1)
    ys = _grouped_mm(sbr, nbe, xs, w13, w2)
    return _combine(ys, p0, p1, ws0, ws1)

# --- scband reference (transcript-rebuilt; emitter-appended) ---
"""Pipeline reference for scband-fused-mo-e-29042568855938 (READ-ONLY COPY).

The authoritative reference and input builder live on the scoring server;
editing this copy changes nothing except your own understanding.
"""

import jax, jax.numpy as jnp
import numpy as np

E = 16
TOPK = 2
H = 1024
I = 2816
T = 2048


def setup_inputs(seed: int = 0) -> dict:
    key = jax.random.key(seed)
    k1, k2, k3, k4 = jax.random.split(key, 4)
    hidden_states = jax.random.normal(k1, (T, H), dtype=jnp.float32)
    router_logits = jax.random.normal(k2, (T, E), dtype=jnp.float32)
    # w13: merged gate+up weights, shape (E, H, 2*I) matching FusedMoE.w13_weight
    w13 = jax.random.normal(k3, (E, H, 2 * I), dtype=jnp.float32) * 0.02
    # w2: down-proj weights, shape (E, I, H) matching FusedMoE.w2_weight
    w2 = jax.random.normal(k4, (E, I, H), dtype=jnp.float32) * 0.02
    return {"hidden_states": hidden_states, "router_logits": router_logits, "w13": w13, "w2": w2}


def reference(hidden_states, router_logits, w13, w2):
    # FusedTopKRouter.select_experts: softmax scoring, top-k, renormalize
    probs = jax.nn.softmax(router_logits, axis=-1)
    topk_w, topk_ids = jax.lax.top_k(probs, TOPK)
    topk_w = topk_w / jnp.sum(topk_w, axis=-1, keepdims=True)

    out = jnp.zeros_like(hidden_states)
    for e in range(E):
        gu = hidden_states @ w13[e]                  # (T, 2*I)
        gate, up = gu[:, :I], gu[:, I:]
        h = jax.nn.silu(gate) * up                   # SwiGLU
        y = h @ w2[e]                                # (T, H)
        w = jnp.sum(jnp.where(topk_ids == e, topk_w, 0.0), axis=-1, keepdims=True)
        out = out + w * y                            # weighted expert output (zero where not routed)
    return out

if __name__ == "__main__":
    import jax
    _d = setup_inputs()
    print(jax.jit(kernel)(*tuple(_d.values())))

</pallas_src>

<mosaic_0001>
#map = affine_map<(d0, d1) -> (0, 0)>
#map1 = affine_map<(d0, d1) -> (0)>
module attributes {stable_mosaic.version = 14 : i64} {
  func.func @k(%arg0: i32, %arg1: i32, %arg2: memref<2048x1024xf32, #tpu.memory_space<hbm>>, %arg3: memref<2048xi32, #tpu.memory_space<hbm>>, %arg4: memref<2048xi32, #tpu.memory_space<hbm>>, %arg5: memref<6144x1024xf32, #tpu.memory_space<hbm>>, %arg6: memref<64xi32, #tpu.memory_space<vmem>>, %arg7: memref<64xi32, #tpu.memory_space<vmem>>, %arg8: memref<64x1024xf32, #tpu.memory_space<vmem>>) attributes {dimension_semantics = [#tpu.dimension_semantics<core_parallel>, #tpu.dimension_semantics<subcore_parallel>], iteration_bounds = array<i64: 2, 16>, scalar_prefetch = 0 : i64, scratch_operands = 3 : i64, tpu.core_type = #tpu.core_type<sc_vector_subcore>, window_params = [{transform_indices = #map}, {transform_indices = #map1}, {transform_indices = #map1}, {transform_indices = #map}]} {
    %mul3A = arith.constant 2 : i32
    %mul3A_0 = arith.muli %arg1, %mul3A : i32
    %add3A = arith.addi %mul3A_0, %arg0 : i32
    %mul3A_1 = arith.constant 64 : i32
    %mul3A_2 = arith.muli %add3A, %mul3A_1 : i32
    %multiple_of3A = tpu.assume_multiple %mul3A_2, 64 : i32
    "tpu.region"() ({
      %run_scoped3A = tpu.sem_alloc : memref<!tpu.dma_semaphore, #tpu.memory_space<semaphore_mem>>
      %dma_start3A = tpu.memref_slice %arg3[%multiple_of3A] : memref<2048xi32, #tpu.memory_space<hbm>> -> memref<64xi32, #tpu.memory_space<hbm>>
      %dma_start3A_3 = tpu.memref_slice %arg3[%multiple_of3A] : memref<2048xi32, #tpu.memory_space<hbm>> -> memref<64xi32, #tpu.memory_space<hbm>>
      tpu.enqueue_dma source(%dma_start3A_3 : memref<64xi32, #tpu.memory_space<hbm>>) target(%arg6 : memref<64xi32, #tpu.memory_space<vmem>>) target_semaphore(%run_scoped3A : memref<!tpu.dma_semaphore, #tpu.memory_space<semaphore_mem>>)
      %dma_wait3A = tpu.memref_slice %arg3[%multiple_of3A] : memref<2048xi32, #tpu.memory_space<hbm>> -> memref<64xi32, #tpu.memory_space<hbm>>
      %dma_wait3A_4 = tpu.memref_slice %arg3[%multiple_of3A] : memref<2048xi32, #tpu.memory_space<hbm>> -> memref<64xi32, #tpu.memory_space<hbm>>
      tpu.wait_dma2 semaphore(%run_scoped3A : memref<!tpu.dma_semaphore, #tpu.memory_space<semaphore_mem>>) src(%dma_wait3A_4 : memref<64xi32, #tpu.memory_space<hbm>>) dst(%arg6 : memref<64xi32, #tpu.memory_space<vmem>>)
      tpu.yield
    }) : () -> ()
    "tpu.region"() ({
      %run_scoped3A = tpu.sem_alloc : memref<!tpu.dma_semaphore, #tpu.memory_space<semaphore_mem>>
      %dma_start3A = tpu.memref_slice %arg4[%multiple_of3A] : memref<2048xi32, #tpu.memory_space<hbm>> -> memref<64xi32, #tpu.memory_space<hbm>>
      %dma_start3A_3 = tpu.memref_slice %arg4[%multiple_of3A] : memref<2048xi32, #tpu.memory_space<hbm>> -> memref<64xi32, #tpu.memory_space<hbm>>
      tpu.enqueue_dma source(%dma_start3A_3 : memref<64xi32, #tpu.memory_space<hbm>>) target(%arg7 : memref<64xi32, #tpu.memory_space<vmem>>) target_semaphore(%run_scoped3A : memref<!tpu.dma_semaphore, #tpu.memory_space<semaphore_mem>>)
      %dma_wait3A = tpu.memref_slice %arg4[%multiple_of3A] : memref<2048xi32, #tpu.memory_space<hbm>> -> memref<64xi32, #tpu.memory_space<hbm>>
      %dma_wait3A_4 = tpu.memref_slice %arg4[%multiple_of3A] : memref<2048xi32, #tpu.memory_space<hbm>> -> memref<64xi32, #tpu.memory_space<hbm>>
      tpu.wait_dma2 semaphore(%run_scoped3A : memref<!tpu.dma_semaphore, #tpu.memory_space<semaphore_mem>>) src(%dma_wait3A_4 : memref<64xi32, #tpu.memory_space<hbm>>) dst(%arg7 : memref<64xi32, #tpu.memory_space<vmem>>)
      tpu.yield
    }) : () -> ()
    "tpu.region"() ({
      %run_scoped3A = tpu.sem_alloc : memref<!tpu.dma_semaphore, #tpu.memory_space<semaphore_mem>>
      %dma_start3A = arith.constant 0 : i32
      %dma_start3A_3 = tpu.memref_slice %arg2[%multiple_of3A, %dma_start3A] : memref<2048x1024xf32, #tpu.memory_space<hbm>> -> memref<64x1024xf32, #tpu.memory_space<hbm>>
      %dma_start3A_4 = arith.constant 0 : i32
      %dma_start3A_5 = tpu.memref_slice %arg2[%multiple_of3A, %dma_start3A_4] : memref<2048x1024xf32, #tpu.memory_space<hbm>> -> memref<64x1024xf32, #tpu.memory_space<hbm>>
      tpu.enqueue_dma source(%dma_start3A_5 : memref<64x1024xf32, #tpu.memory_space<hbm>>) target(%arg8 : memref<64x1024xf32, #tpu.memory_space<vmem>>) target_semaphore(%run_scoped3A : memref<!tpu.dma_semaphore, #tpu.memory_space<semaphore_mem>>)
      %dma_wait3A = arith.constant 0 : i32
      %dma_wait3A_6 = tpu.memref_slice %arg2[%multiple_of3A, %dma_wait3A] : memref<2048x1024xf32, #tpu.memory_space<hbm>> -> memref<64x1024xf32, #tpu.memory_space<hbm>>
      %dma_wait3A_7 = arith.constant 0 : i32
      %dma_wait3A_8 = tpu.memref_slice %arg2[%multiple_of3A, %dma_wait3A_7] : memref<2048x1024xf32, #tpu.memory_space<hbm>> -> memref<64x1024xf32, #tpu.memory_space<hbm>>
      tpu.wait_dma2 semaphore(%run_scoped3A : memref<!tpu.dma_semaphore, #tpu.memory_space<semaphore_mem>>) src(%dma_wait3A_8 : memref<64x1024xf32, #tpu.memory_space<hbm>>) dst(%arg8 : memref<64x1024xf32, #tpu.memory_space<vmem>>)
      tpu.yield
    }) : () -> ()
    "tpu.region"() ({
      %run_scoped3A = tpu.sem_alloc : memref<!tpu.dma_semaphore, #tpu.memory_space<semaphore_mem>>
      %dma_start3A = arith.constant 0 : i32
      %dma_start3A_3 = arith.constant 0 : i32
      %dma_start3A_4 = tpu.memref_slice %arg5[%dma_start3A, %dma_start3A_3] : memref<6144x1024xf32, #tpu.memory_space<hbm>> -> memref<6144x1024xf32, #tpu.memory_space<hbm>>
      tpu.enqueue_indirect_dma source(%arg8 : memref<64x1024xf32, #tpu.memory_space<vmem>>) target(%dma_start3A_4 : memref<6144x1024xf32, #tpu.memory_space<hbm>>) offsets(%arg6 : memref<64xi32, #tpu.memory_space<vmem>>) semaphore(%run_scoped3A : memref<!tpu.dma_semaphore, #tpu.memory_space<semaphore_mem>>)
      %dma_wait3A = arith.constant 0 : i32
      %dma_wait3A_5 = arith.constant 0 : i32
      %dma_wait3A_6 = tpu.memref_slice %arg5[%dma_wait3A, %dma_wait3A_5] : memref<6144x1024xf32, #tpu.memory_space<hbm>> -> memref<6144x1024xf32, #tpu.memory_space<hbm>>
      tpu.wait_indirect_dma semaphore(%run_scoped3A : memref<!tpu.dma_semaphore, #tpu.memory_space<semaphore_mem>>) src(%arg8 : memref<64x1024xf32, #tpu.memory_space<vmem>>) dst(%dma_wait3A_6 : memref<6144x1024xf32, #tpu.memory_space<hbm>>)
      tpu.yield
    }) : () -> ()
    "tpu.region"() ({
      %run_scoped3A = tpu.sem_alloc : memref<!tpu.dma_semaphore, #tpu.memory_space<semaphore_mem>>
      %dma_start3A = arith.constant 0 : i32
      %dma_start3A_3 = arith.constant 0 : i32
      %dma_start3A_4 = tpu.memref_slice %arg5[%dma_start3A, %dma_start3A_3] : memref<6144x1024xf32, #tpu.memory_space<hbm>> -> memref<6144x1024xf32, #tpu.memory_space<hbm>>
      tpu.enqueue_indirect_dma source(%arg8 : memref<64x1024xf32, #tpu.memory_space<vmem>>) target(%dma_start3A_4 : memref<6144x1024xf32, #tpu.memory_space<hbm>>) offsets(%arg7 : memref<64xi32, #tpu.memory_space<vmem>>) semaphore(%run_scoped3A : memref<!tpu.dma_semaphore, #tpu.memory_space<semaphore_mem>>)
      %dma_wait3A = arith.constant 0 : i32
      %dma_wait3A_5 = arith.constant 0 : i32
      %dma_wait3A_6 = tpu.memref_slice %arg5[%dma_wait3A, %dma_wait3A_5] : memref<6144x1024xf32, #tpu.memory_space<hbm>> -> memref<6144x1024xf32, #tpu.memory_space<hbm>>
      tpu.wait_indirect_dma semaphore(%run_scoped3A : memref<!tpu.dma_semaphore, #tpu.memory_space<semaphore_mem>>) src(%arg8 : memref<64x1024xf32, #tpu.memory_space<vmem>>) dst(%dma_wait3A_6 : memref<6144x1024xf32, #tpu.memory_space<hbm>>)
      tpu.yield
    }) : () -> ()
    return
  }
}

#map = affine_map<(d0, d1) -> (0, 0)>
#map1 = affine_map<(d0, d1) -> (0)>
module attributes {stable_mosaic.version = 14 : i64} {
  func.func @k(%arg0: i32, %arg1: i32, %arg2: memref<6144x1024xf32, #tpu.memory_space<hbm>>, %arg3: memref<2048xi32, #tpu.memory_space<hbm>>, %arg4: memref<2048xi32, #tpu.memory_space<hbm>>, %arg5: memref<2048x16xf32, #tpu.memory_space<hbm>>, %arg6: memref<2048x16xf32, #tpu.memory_space<hbm>>, %arg7: memref<2048x1024xf32, #tpu.memory_space<hbm>>, %arg8: memref<32xi32, #tpu.memory_space<vmem>>, %arg9: memref<32xi32, #tpu.memory_space<vmem>>, %arg10: memref<32x1024xf32, #tpu.memory_space<vmem>>, %arg11: memref<32x1024xf32, #tpu.memory_space<vmem>>, %arg12: memref<32x16xf32, #tpu.memory_space<vmem>>, %arg13: memref<32x16xf32, #tpu.memory_space<vmem>>) attributes {dimension_semantics = [#tpu.dimension_semantics<core_parallel>, #tpu.dimension_semantics<subcore_parallel>], iteration_bounds = array<i64: 2, 16>, scalar_prefetch = 0 : i64, scratch_operands = 6 : i64, tpu.core_type = #tpu.core_type<sc_vector_subcore>, window_params = [{transform_indices = #map}, {transform_indices = #map1}, {transform_indices = #map1}, {transform_indices = #map}, {transform_indices = #map}, {transform_indices = #map}]} {
    %mul3A = arith.constant 2 : i32
    %mul3A_0 = arith.muli %arg1, %mul3A : i32
    %add3A = arith.addi %mul3A_0, %arg0 : i32
    %mul3A_1 = arith.constant 64 : i32
    %mul3A_2 = arith.muli %add3A, %mul3A_1 : i32
    %multiple_of3A = tpu.assume_multiple %mul3A_2, 64 : i32
    %scan3A = arith.constant 0 : i32
    %scan3A_3 = arith.constant 2 : i32
    %scan3A_4 = arith.addi %scan3A, %scan3A_3 : i32
    %scan3A_5 = arith.constant 1 : i32
    scf.for %scan3A_7 = %scan3A to %scan3A_4 step %scan3A_5  : i32 {
      %mul3A_8 = arith.constant 1 : i32
      %mul3A_9 = arith.muli %scan3A_7, %mul3A_8 : i32
      %add3A_10 = arith.constant 0 : i32
      %add3A_11 = arith.addi %add3A_10, %mul3A_9 : i32
      %mul3A_12 = arith.constant 32 : i32
      %mul3A_13 = arith.muli %add3A_11, %mul3A_12 : i32
      %add3A_14 = arith.addi %multiple_of3A, %mul3A_13 : i32
      %multiple_of3A_15 = tpu.assume_multiple %add3A_14, 32 : i32
      "tpu.region"() ({
        %run_scoped3A = tpu.sem_alloc : memref<!tpu.dma_semaphore, #tpu.memory_space<semaphore_mem>>
        %dma_start3A = tpu.memref_slice %arg3[%multiple_of3A_15] : memref<2048xi32, #tpu.memory_space<hbm>> -> memref<32xi32, #tpu.memory_space<hbm>>
        %dma_start3A_21 = tpu.memref_slice %arg3[%multiple_of3A_15] : memref<2048xi32, #tpu.memory_space<hbm>> -> memref<32xi32, #tpu.memory_space<hbm>>
        tpu.enqueue_dma source(%dma_start3A_21 : memref<32xi32, #tpu.memory_space<hbm>>) target(%arg8 : memref<32xi32, #tpu.memory_space<vmem>>) target_semaphore(%run_scoped3A : memref<!tpu.dma_semaphore, #tpu.memory_space<semaphore_mem>>)
        %dma_wait3A = tpu.memref_slice %arg3[%multiple_of3A_15] : memref<2048xi32, #tpu.memory_space<hbm>> -> memref<32xi32, #tpu.memory_space<hbm>>
        %dma_wait3A_22 = tpu.memref_slice %arg3[%multiple_of3A_15] : memref<2048xi32, #tpu.memory_space<hbm>> -> memref<32xi32, #tpu.memory_space<hbm>>
        tpu.wait_dma2 semaphore(%run_scoped3A : memref<!tpu.dma_semaphore, #tpu.memory_space<semaphore_mem>>) src(%dma_wait3A_22 : memref<32xi32, #tpu.memory_space<hbm>>) dst(%arg8 : memref<32xi32, #tpu.memory_space<vmem>>)
        tpu.yield
      }) : () -> ()
      "tpu.region"() ({
        %run_scoped3A = tpu.sem_alloc : memref<!tpu.dma_semaphore, #tpu.memory_space<semaphore_mem>>
        %dma_start3A = tpu.memref_slice %arg4[%multiple_of3A_15] : memref<2048xi32, #tpu.memory_space<hbm>> -> memref<32xi32, #tpu.memory_space<hbm>>
        %dma_start3A_21 = tpu.memref_slice %arg4[%multiple_of3A_15] : memref<2048xi32, #tpu.memory_space<hbm>> -> memref<32xi32, #tpu.memory_space<hbm>>
        tpu.enqueue_dma source(%dma_start3A_21 : memref<32xi32, #tpu.memory_space<hbm>>) target(%arg9 : memref<32xi32, #tpu.memory_space<vmem>>) target_semaphore(%run_scoped3A : memref<!tpu.dma_semaphore, #tpu.memory_space<semaphore_mem>>)
        %dma_wait3A = tpu.memref_slice %arg4[%multiple_of3A_15] : memref<2048xi32, #tpu.memory_space<hbm>> -> memref<32xi32, #tpu.memory_space<hbm>>
        %dma_wait3A_22 = tpu.memref_slice %arg4[%multiple_of3A_15] : memref<2048xi32, #tpu.memory_space<hbm>> -> memref<32xi32, #tpu.memory_space<hbm>>
        tpu.wait_dma2 semaphore(%run_scoped3A : memref<!tpu.dma_semaphore, #tpu.memory_space<semaphore_mem>>) src(%dma_wait3A_22 : memref<32xi32, #tpu.memory_space<hbm>>) dst(%arg9 : memref<32xi32, #tpu.memory_space<vmem>>)
        tpu.yield
      }) : () -> ()
      "tpu.region"() ({
        %run_scoped3A = tpu.sem_alloc : memref<!tpu.dma_semaphore, #tpu.memory_space<semaphore_mem>>
        %dma_start3A = arith.constant 0 : i32
        %dma_start3A_21 = tpu.memref_slice %arg5[%multiple_of3A_15, %dma_start3A] : memref<2048x16xf32, #tpu.memory_space<hbm>> -> memref<32x16xf32, #tpu.memory_space<hbm>>
        %dma_start3A_22 = arith.constant 0 : i32
        %dma_start3A_23 = tpu.memref_slice %arg5[%multiple_of3A_15, %dma_start3A_22] : memref<2048x16xf32, #tpu.memory_space<hbm>> -> memref<32x16xf32, #tpu.memory_space<hbm>>
        tpu.enqueue_dma source(%dma_start3A_23 : memref<32x16xf32, #tpu.memory_space<hbm>>) target(%arg12 : memref<32x16xf32, #tpu.memory_space<vmem>>) target_semaphore(%run_scoped3A : memref<!tpu.dma_semaphore, #tpu.memory_space<semaphore_mem>>)
        %dma_wait3A = arith.constant 0 : i32
        %dma_wait3A_24 = tpu.memref_slice %arg5[%multiple_of3A_15, %dma_wait3A] : memref<2048x16xf32, #tpu.memory_space<hbm>> -> memref<32x16xf32, #tpu.memory_space<hbm>>
        %dma_wait3A_25 = arith.constant 0 : i32
        %dma_wait3A_26 = tpu.memref_slice %arg5[%multiple_of3A_15, %dma_wait3A_25] : memref<2048x16xf32, #tpu.memory_space<hbm>> -> memref<32x16xf32, #tpu.memory_space<hbm>>
        tpu.wait_dma2 semaphore(%run_scoped3A : memref<!tpu.dma_semaphore, #tpu.memory_space<semaphore_mem>>) src(%dma_wait3A_26 : memref<32x16xf32, #tpu.memory_space<hbm>>) dst(%arg12 : memref<32x16xf32, #tpu.memory_space<vmem>>)
        tpu.yield
      }) : () -> ()
      "tpu.region"() ({
        %run_scoped3A = tpu.sem_alloc : memref<!tpu.dma_semaphore, #tpu.memory_space<semaphore_mem>>
        %dma_start3A = arith.constant 0 : i32
        %dma_start3A_21 = tpu.memref_slice %arg6[%multiple_of3A_15, %dma_start3A] : memref<2048x16xf32, #tpu.memory_space<hbm>> -> memref<32x16xf32, #tpu.memory_space<hbm>>
        %dma_start3A_22 = arith.constant 0 : i32
        %dma_start3A_23 = tpu.memref_slice %arg6[%multiple_of3A_15, %dma_start3A_22] : memref<2048x16xf32, #tpu.memory_space<hbm>> -> memref<32x16xf32, #tpu.memory_space<hbm>>
        tpu.enqueue_dma source(%dma_start3A_23 : memref<32x16xf32, #tpu.memory_space<hbm>>) target(%arg13 : memref<32x16xf32, #tpu.memory_space<vmem>>) target_semaphore(%run_scoped3A : memref<!tpu.dma_semaphore, #tpu.memory_space<semaphore_mem>>)
        %dma_wait3A = arith.constant 0 : i32
        %dma_wait3A_24 = tpu.memref_slice %arg6[%multiple_of3A_15, %dma_wait3A] : memref<2048x16xf32, #tpu.memory_space<hbm>> -> memref<32x16xf32, #tpu.memory_space<hbm>>
        %dma_wait3A_25 = arith.constant 0 : i32
        %dma_wait3A_26 = tpu.memref_slice %arg6[%multiple_of3A_15, %dma_wait3A_25] : memref<2048x16xf32, #tpu.memory_space<hbm>> -> memref<32x16xf32, #tpu.memory_space<hbm>>
        tpu.wait_dma2 semaphore(%run_scoped3A : memref<!tpu.dma_semaphore, #tpu.memory_space<semaphore_mem>>) src(%dma_wait3A_26 : memref<32x16xf32, #tpu.memory_space<hbm>>) dst(%arg13 : memref<32x16xf32, #tpu.memory_space<vmem>>)
        tpu.yield
      }) : () -> ()
      "tpu.region"() ({
        %run_scoped3A = tpu.sem_alloc : memref<!tpu.dma_semaphore, #tpu.memory_space<semaphore_mem>>
        %dma_start3A = arith.constant 0 : i32
        %dma_start3A_21 = arith.constant 0 : i32
        %dma_start3A_22 = tpu.memref_slice %arg2[%dma_start3A, %dma_start3A_21] : memref<6144x1024xf32, #tpu.memory_space<hbm>> -> memref<6144x1024xf32, #tpu.memory_space<hbm>>
        tpu.enqueue_indirect_dma source(%dma_start3A_22 : memref<6144x1024xf32, #tpu.memory_space<hbm>>) target(%arg10 : memref<32x1024xf32, #tpu.memory_space<vmem>>) offsets(%arg8 : memref<32xi32, #tpu.memory_space<vmem>>) semaphore(%run_scoped3A : memref<!tpu.dma_semaphore, #tpu.memory_space<semaphore_mem>>)
        %dma_wait3A = arith.constant 0 : i32
        %dma_wait3A_23 = arith.constant 0 : i32
        %dma_wait3A_24 = tpu.memref_slice %arg2[%dma_wait3A, %dma_wait3A_23] : memref<6144x1024xf32, #tpu.memory_space<hbm>> -> memref<6144x1024xf32, #tpu.memory_space<hbm>>
        tpu.wait_indirect_dma semaphore(%run_scoped3A : memref<!tpu.dma_semaphore, #tpu.memory_space<semaphore_mem>>) src(%dma_wait3A_24 : memref<6144x1024xf32, #tpu.memory_space<hbm>>) dst(%arg10 : memref<32x1024xf32, #tpu.memory_space<vmem>>)
        tpu.yield
      }) : () -> ()
      "tpu.region"() ({
        %run_scoped3A = tpu.sem_alloc : memref<!tpu.dma_semaphore, #tpu.memory_space<semaphore_mem>>
        %dma_start3A = arith.constant 0 : i32
        %dma_start3A_21 = arith.constant 0 : i32
        %dma_start3A_22 = tpu.memref_slice %arg2[%dma_start3A, %dma_start3A_21] : memref<6144x1024xf32, #tpu.memory_space<hbm>> -> memref<6144x1024xf32, #tpu.memory_space<hbm>>
        tpu.enqueue_indirect_dma source(%dma_start3A_22 : memref<6144x1024xf32, #tpu.memory_space<hbm>>) target(%arg11 : memref<32x1024xf32, #tpu.memory_space<vmem>>) offsets(%arg9 : memref<32xi32, #tpu.memory_space<vmem>>) semaphore(%run_scoped3A : memref<!tpu.dma_semaphore, #tpu.memory_space<semaphore_mem>>)
        %dma_wait3A = arith.constant 0 : i32
        %dma_wait3A_23 = arith.constant 0 : i32
        %dma_wait3A_24 = tpu.memref_slice %arg2[%dma_wait3A, %dma_wait3A_23] : memref<6144x1024xf32, #tpu.memory_space<hbm>> -> memref<6144x1024xf32, #tpu.memory_space<hbm>>
        tpu.wait_indirect_dma semaphore(%run_scoped3A : memref<!tpu.dma_semaphore, #tpu.memory_space<semaphore_mem>>) src(%dma_wait3A_24 : memref<6144x1024xf32, #tpu.memory_space<hbm>>) dst(%arg11 : memref<32x1024xf32, #tpu.memory_space<vmem>>)
        tpu.yield
      }) : () -> ()
      %scan3A_16 = arith.constant 0 : i32
      %scan3A_17 = arith.constant 32 : i32
      %scan3A_18 = arith.addi %scan3A_16, %scan3A_17 : i32
      %scan3A_19 = arith.constant 1 : i32
      scf.for %scan3A_21 = %scan3A_16 to %scan3A_18 step %scan3A_19  : i32 {
        %mul3A_22 = arith.constant 1 : i32
        %mul3A_23 = arith.muli %scan3A_21, %mul3A_22 : i32
        %add3A_24 = arith.constant 0 : i32
        %add3A_25 = arith.addi %add3A_24, %mul3A_23 : i32
        %get3A = arith.index_cast %add3A_25 : i32 to index
        %get3A_26 = arith.constant 0 : index
        %get3A_27 = tpu.vector_load %arg12[%get3A, %get3A_26] {strides = array<i32>} : memref<32x16xf32, #tpu.memory_space<vmem>>, vector<1x16xf32>,
        %get3A_28 = vector.shape_cast %get3A_27 : vector<1x16xf32> to vector<16xf32>
        %get3A_29 = arith.index_cast %add3A_25 : i32 to index
        %get3A_30 = arith.constant 0 : index
        %get3A_31 = tpu.vector_load %arg13[%get3A_29, %get3A_30] {strides = array<i32>} : memref<32x16xf32, #tpu.memory_space<vmem>>, vector<1x16xf32>,
        %get3A_32 = vector.shape_cast %get3A_31 : vector<1x16xf32> to vector<16xf32>
        %scan3A_33 = arith.constant 0 : i32
        %scan3A_34 = arith.constant 64 : i32
        %scan3A_35 = arith.addi %scan3A_33, %scan3A_34 : i32
        %scan3A_36 = arith.constant 1 : i32
        scf.for %scan3A_38 = %scan3A_33 to %scan3A_35 step %scan3A_36  : i32 {
          %mul3A_39 = arith.constant 1 : i32
          %mul3A_40 = arith.muli %scan3A_38, %mul3A_39 : i32
          %add3A_41 = arith.constant 0 : i32
          %add3A_42 = arith.addi %add3A_41, %mul3A_40 : i32
          %mul3A_43 = arith.constant 16 : i32
          %mul3A_44 = arith.muli %add3A_42, %mul3A_43 : i32
          %get3A_45 = arith.index_cast %add3A_25 : i32 to index
          %get3A_46 = arith.index_cast %mul3A_44 : i32 to index
          %get3A_47 = tpu.vector_load %arg10[%get3A_45, %get3A_46] {strides = array<i32>} : memref<32x1024xf32, #tpu.memory_space<vmem>>, vector<1x16xf32>,
          %get3A_48 = vector.shape_cast %get3A_47 : vector<1x16xf32> to vector<16xf32>
          %mul3A_49 = arith.mulf %get3A_48, %get3A_28 : vector<16xf32>
          %get3A_50 = arith.index_cast %add3A_25 : i32 to index
          %get3A_51 = arith.index_cast %mul3A_44 : i32 to index
          %get3A_52 = tpu.vector_load %arg11[%get3A_50, %get3A_51] {strides = array<i32>} : memref<32x1024xf32, #tpu.memory_space<vmem>>, vector<1x16xf32>,
          %get3A_53 = vector.shape_cast %get3A_52 : vector<1x16xf32> to vector<16xf32>
          %mul3A_54 = arith.mulf %get3A_53, %get3A_32 : vector<16xf32>
          %add3A_55 = arith.addf %mul3A_49, %mul3A_54 : vector<16xf32>
          %swap3A = arith.index_cast %add3A_25 : i32 to index
          %swap3A_56 = arith.index_cast %mul3A_44 : i32 to index
          %swap3A_57 = tpu.vector_load %arg10[%swap3A, %swap3A_56] {strides = array<i32>} : memref<32x1024xf32, #tpu.memory_space<vmem>>, vector<1x16xf32>,
          %swap3A_58 = vector.shape_cast %swap3A_57 : vector<1x16xf32> to vector<16xf32>
          %swap3A_59 = vector.shape_cast %add3A_55 : vector<16xf32> to vector<1x16xf32>
          tpu.vector_store %arg10[%swap3A, %swap3A_56], %swap3A_59 {strides = array<i32>} : memref<32x1024xf32, #tpu.memory_space<vmem>>, vector<1x16xf32>,
        }
        %scan3A_37 = arith.constant 64 : i32
      }
      %scan3A_20 = arith.constant 32 : i32
      "tpu.region"() ({
        %run_scoped3A = tpu.sem_alloc : memref<!tpu.dma_semaphore, #tpu.memory_space<semaphore_mem>>
        %dma_start3A = arith.constant 0 : i32
        %dma_start3A_21 = tpu.memref_slice %arg7[%multiple_of3A_15, %dma_start3A] : memref<2048x1024xf32, #tpu.memory_space<hbm>> -> memref<32x1024xf32, #tpu.memory_space<hbm>>
        %dma_start3A_22 = arith.constant 0 : i32
        %dma_start3A_23 = tpu.memref_slice %arg7[%multiple_of3A_15, %dma_start3A_22] : memref<2048x1024xf32, #tpu.memory_space<hbm>> -> memref<32x1024xf32, #tpu.memory_space<hbm>>
        tpu.enqueue_dma source(%arg10 : memref<32x1024xf32, #tpu.memory_space<vmem>>) target(%dma_start3A_23 : memref<32x1024xf32, #tpu.memory_space<hbm>>) target_semaphore(%run_scoped3A : memref<!tpu.dma_semaphore, #tpu.memory_space<semaphore_mem>>)
        %dma_wait3A = arith.constant 0 : i32
        %dma_wait3A_24 = tpu.memref_slice %arg7[%multiple_of3A_15, %dma_wait3A] : memref<2048x1024xf32, #tpu.memory_space<hbm>> -> memref<32x1024xf32, #tpu.memory_space<hbm>>
        %dma_wait3A_25 = arith.constant 0 : i32
        %dma_wait3A_26 = tpu.memref_slice %arg7[%multiple_of3A_15, %dma_wait3A_25] : memref<2048x1024xf32, #tpu.memory_space<hbm>> -> memref<32x1024xf32, #tpu.memory_space<hbm>>
        tpu.wait_dma2 semaphore(%run_scoped3A : memref<!tpu.dma_semaphore, #tpu.memory_space<semaphore_mem>>) src(%arg10 : memref<32x1024xf32, #tpu.memory_space<vmem>>) dst(%dma_wait3A_26 : memref<32x1024xf32, #tpu.memory_space<hbm>>)
        tpu.yield
      }) : () -> ()
    }
    %scan3A_6 = arith.constant 2 : i32
    return
  }
}

module attributes {stable_mosaic.version = 14 : i64} {
  func.func @_routing_body(%arg0: memref<2048x16xf32, #tpu.memory_space<vmem>>, %arg1: memref<2048x1xi32, #tpu.memory_space<vmem>>, %arg2: memref<2048x1xi32, #tpu.memory_space<vmem>>, %arg3: memref<2048x16xf32, #tpu.memory_space<vmem>>, %arg4: memref<2048x16xf32, #tpu.memory_space<vmem>>, %arg5: memref<8x16xi32, #tpu.memory_space<vmem>>, %arg6: memref<8x16xi32, #tpu.memory_space<vmem>>) attributes {dimension_semantics = [], scalar_prefetch = 0 : i64, scratch_operands = 0 : i64, tpu.core_type = #tpu.core_type<tc>} {
    %get3A = arith.constant 0 : index
    %get3A_0 = arith.constant 0 : index
    %get3A_1 = vector.load %arg0[%get3A, %get3A_0] : memref<2048x16xf32, #tpu.memory_space<vmem>>, vector<2048x16xf32>
    %iota3A = tpu.iota {dimensions = array<i32: 1>} : vector<2048x16xi32>
    %reduce_max3A = arith.constant dense<0xFF800000> : vector<2048xf32>
    %reduce_max3A_2 = vector.multi_reduction <maximumf>, %get3A_1, %reduce_max3A [1] : vector<2048x16xf32> to vector<2048xf32>
    %broadcast_in_dim3A = vector.shape_cast %reduce_max3A_2 : vector<2048xf32> to vector<2048x1xf32>
    %eq3A = vector.broadcast %broadcast_in_dim3A : vector<2048x1xf32> to vector<2048x16xf32>
    %eq3A_3 = arith.cmpf oeq, %get3A_1, %eq3A : vector<2048x16xf32>
    %jit3A = arith.constant 1000000000 : i32
    %broadcast_in_dim3A_4 = vector.broadcast %jit3A : i32 to vector<2048x16xi32>
    %select_n3A = arith.select %eq3A_3, %iota3A, %broadcast_in_dim3A_4 : vector<2048x16xi1>, vector<2048x16xi32>
    %reduce_min3A = arith.constant dense<2147483647> : vector<2048xi32>
    %reduce_min3A_5 = vector.multi_reduction <minsi>, %select_n3A, %reduce_min3A [1] : vector<2048x16xi32> to vector<2048xi32>
    %broadcast_in_dim3A_6 = vector.shape_cast %reduce_min3A_5 : vector<2048xi32> to vector<2048x1xi32>
    %eq3A_7 = vector.broadcast %broadcast_in_dim3A_6 : vector<2048x1xi32> to vector<2048x16xi32>
    %eq3A_8 = arith.cmpi eq, %iota3A, %eq3A_7 : vector<2048x16xi32>
    %jit3A_9 = arith.constant -1.000000e+30 : f32
    %broadcast_in_dim3A_10 = vector.broadcast %jit3A_9 : f32 to vector<2048x16xf32>
    %select_n3A_11 = arith.select %eq3A_8, %broadcast_in_dim3A_10, %get3A_1 : vector<2048x16xi1>, vector<2048x16xf32>
    %reduce_max3A_12 = arith.constant dense<0xFF800000> : vector<2048xf32>
    %reduce_max3A_13 = vector.multi_reduction <maximumf>, %select_n3A_11, %reduce_max3A_12 [1] : vector<2048x16xf32> to vector<2048xf32>
    %broadcast_in_dim3A_14 = vector.shape_cast %reduce_max3A_13 : vector<2048xf32> to vector<2048x1xf32>
    %eq3A_15 = vector.broadcast %broadcast_in_dim3A_14 : vector<2048x1xf32> to vector<2048x16xf32>
    %eq3A_16 = arith.cmpf oeq, %select_n3A_11, %eq3A_15 : vector<2048x16xf32>
    %jit3A_17 = arith.constant 1000000000 : i32
    %broadcast_in_dim3A_18 = vector.broadcast %jit3A_17 : i32 to vector<2048x16xi32>
    %select_n3A_19 = arith.select %eq3A_16, %iota3A, %broadcast_in_dim3A_18 : vector<2048x16xi1>, vector<2048x16xi32>
    %reduce_min3A_20 = arith.constant dense<2147483647> : vector<2048xi32>
    %reduce_min3A_21 = vector.multi_reduction <minsi>, %select_n3A_19, %reduce_min3A_20 [1] : vector<2048x16xi32> to vector<2048xi32>
    %broadcast_in_dim3A_22 = vector.shape_cast %reduce_min3A_21 : vector<2048xi32> to vector<2048x1xi32>
    %sub3A = arith.subf %broadcast_in_dim3A, %broadcast_in_dim3A_14 : vector<2048x1xf32>
    %logistic3A = arith.negf %sub3A : vector<2048x1xf32>
    %logistic3A_23 = math.exp %logistic3A : vector<2048x1xf32>
    %logistic3A_24 = arith.constant 1.000000e+00 : f32
    %logistic3A_25 = vector.broadcast %logistic3A_24 : f32 to vector<2048x1xf32>
    %logistic3A_26 = arith.addf %logistic3A_25, %logistic3A_23 : vector<2048x1xf32>
    %logistic3A_27 = arith.divf %logistic3A_25, %logistic3A_26 : vector<2048x1xf32>
    %sub3A_28 = arith.constant 1.000000e+00 : f32
    %sub3A_29 = vector.broadcast %sub3A_28 : f32 to vector<2048x1xf32>
    %sub3A_30 = arith.subf %sub3A_29, %logistic3A_27 : vector<2048x1xf32>
    %eq3A_31 = vector.broadcast %broadcast_in_dim3A_6 : vector<2048x1xi32> to vector<2048x16xi32>
    %eq3A_32 = arith.cmpi eq, %iota3A, %eq3A_31 : vector<2048x16xi32>
    %convert_element_type3A = arith.extui %eq3A_32 : vector<2048x16xi1> to vector<2048x16xi32>
    %convert_element_type3A_33 = arith.sitofp %convert_element_type3A : vector<2048x16xi32> to vector<2048x16xf32>
    %eq3A_34 = vector.broadcast %broadcast_in_dim3A_22 : vector<2048x1xi32> to vector<2048x16xi32>
    %eq3A_35 = arith.cmpi eq, %iota3A, %eq3A_34 : vector<2048x16xi32>
    %convert_element_type3A_36 = arith.extui %eq3A_35 : vector<2048x16xi1> to vector<2048x16xi32>
    %convert_element_type3A_37 = arith.sitofp %convert_element_type3A_36 : vector<2048x16xi32> to vector<2048x16xf32>
    %add3A = arith.addf %convert_element_type3A_33, %convert_element_type3A_37 : vector<2048x16xf32>
    %iota3A_38 = tpu.iota {dimensions = array<i32: 0>} : vector<128x128xi32>
    %iota3A_39 = tpu.iota {dimensions = array<i32: 1>} : vector<128x128xi32>
    %gt3A = arith.cmpi sgt, %iota3A_38, %iota3A_39 : vector<128x128xi32>
    %convert_element_type3A_40 = arith.extui %gt3A : vector<128x128xi1> to vector<128x128xi32>
    %convert_element_type3A_41 = arith.sitofp %convert_element_type3A_40 : vector<128x128xi32> to vector<128x128xf32>
    %broadcast_in_dim3A_42 = arith.constant 0.000000e+00 : f32
    %broadcast_in_dim3A_43 = vector.broadcast %broadcast_in_dim3A_42 : f32 to vector<1x16xf32>
    %slice3A = vector.extract_strided_slice %add3A {offsets = [0, 0], sizes = [128, 16], strides = [1, 1]} : vector<2048x16xf32> to vector<128x16xf32>
    %dot_general3A = arith.constant dense<0.000000e+00> : vector<128x16xf32>
    %dot_general3A_44 = tpu.matmul %convert_element_type3A_41, %slice3A, %dot_general3A {dimension_numbers = #tpu.dot_dimension_numbers<[1], [0], [0], [1], [0, 0, 1, 1], [], []>, transpose_lhs_hint = false} : vector<128x128xf32>, vector<128x16xf32>, vector<128x16xf32> -> vector<128x16xf32>
    %add3A_45 = vector.broadcast %broadcast_in_dim3A_43 : vector<1x16xf32> to vector<128x16xf32>
    %add3A_46 = arith.addf %dot_general3A_44, %add3A_45 : vector<128x16xf32>
    %reduce_sum3A = arith.constant dense<0.000000e+00> : vector<16xf32>
    %reduce_sum3A_47 = vector.multi_reduction <add>, %slice3A, %reduce_sum3A [0] : vector<128x16xf32> to vector<16xf32>
    %broadcast_in_dim3A_48 = vector.shape_cast %reduce_sum3A_47 : vector<16xf32> to vector<1x16xf32>
    %add3A_49 = arith.addf %broadcast_in_dim3A_43, %broadcast_in_dim3A_48 : vector<1x16xf32>
    %slice3A_50 = vector.extract_strided_slice %add3A {offsets = [128, 0], sizes = [128, 16], strides = [1, 1]} : vector<2048x16xf32> to vector<128x16xf32>
    %dot_general3A_51 = arith.constant dense<0.000000e+00> : vector<128x16xf32>
    %dot_general3A_52 = tpu.matmul %convert_element_type3A_41, %slice3A_50, %dot_general3A_51 {dimension_numbers = #tpu.dot_dimension_numbers<[1], [0], [0], [1], [0, 0, 1, 1], [], []>, transpose_lhs_hint = false} : vector<128x128xf32>, vector<128x16xf32>, vector<128x16xf32> -> vector<128x16xf32>
    %add3A_53 = vector.broadcast %add3A_49 : vector<1x16xf32> to vector<128x16xf32>
    %add3A_54 = arith.addf %dot_general3A_52, %add3A_53 : vector<128x16xf32>
    %reduce_sum3A_55 = arith.constant dense<0.000000e+00> : vector<16xf32>
    %reduce_sum3A_56 = vector.multi_reduction <add>, %slice3A_50, %reduce_sum3A_55 [0] : vector<128x16xf32> to vector<16xf32>
    %broadcast_in_dim3A_57 = vector.shape_cast %reduce_sum3A_56 : vector<16xf32> to vector<1x16xf32>
    %add3A_58 = arith.addf %add3A_49, %broadcast_in_dim3A_57 : vector<1x16xf32>
    %slice3A_59 = vector.extract_strided_slice %add3A {offsets = [256, 0], sizes = [128, 16], strides = [1, 1]} : vector<2048x16xf32> to vector<128x16xf32>
    %dot_general3A_60 = arith.constant dense<0.000000e+00> : vector<128x16xf32>
    %dot_general3A_61 = tpu.matmul %convert_element_type3A_41, %slice3A_59, %dot_general3A_60 {dimension_numbers = #tpu.dot_dimension_numbers<[1], [0], [0], [1], [0, 0, 1, 1], [], []>, transpose_lhs_hint = false} : vector<128x128xf32>, vector<128x16xf32>, vector<128x16xf32> -> vector<128x16xf32>
    %add3A_62 = vector.broadcast %add3A_58 : vector<1x16xf32> to vector<128x16xf32>
    %add3A_63 = arith.addf %dot_general3A_61, %add3A_62 : vector<128x16xf32>
    %reduce_sum3A_64 = arith.constant dense<0.000000e+00> : vector<16xf32>
    %reduce_sum3A_65 = vector.multi_reduction <add>, %slice3A_59, %reduce_sum3A_64 [0] : vector<128x16xf32> to vector<16xf32>
    %broadcast_in_dim3A_66 = vector.shape_cast %reduce_sum3A_65 : vector<16xf32> to vector<1x16xf32>
    %add3A_67 = arith.addf %add3A_58, %broadcast_in_dim3A_66 : vector<1x16xf32>
    %slice3A_68 = vector.extract_strided_slice %add3A {offsets = [384, 0], sizes = [128, 16], strides = [1, 1]} : vector<2048x16xf32> to vector<128x16xf32>
    %dot_general3A_69 = arith.constant dense<0.000000e+00> : vector<128x16xf32>
    %dot_general3A_70 = tpu.matmul %convert_element_type3A_41, %slice3A_68, %dot_general3A_69 {dimension_numbers = #tpu.dot_dimension_numbers<[1], [0], [0], [1], [0, 0, 1, 1], [], []>, transpose_lhs_hint = false} : vector<128x128xf32>, vector<128x16xf32>, vector<128x16xf32> -> vector<128x16xf32>
    %add3A_71 = vector.broadcast %add3A_67 : vector<1x16xf32> to vector<128x16xf32>
    %add3A_72 = arith.addf %dot_general3A_70, %add3A_71 : vector<128x16xf32>
    %reduce_sum3A_73 = arith.constant dense<0.000000e+00> : vector<16xf32>
    %reduce_sum3A_74 = vector.multi_reduction <add>, %slice3A_68, %reduce_sum3A_73 [0] : vector<128x16xf32> to vector<16xf32>
    %broadcast_in_dim3A_75 = vector.shape_cast %reduce_sum3A_74 : vector<16xf32> to vector<1x16xf32>
    %add3A_76 = arith.addf %add3A_67, %broadcast_in_dim3A_75 : vector<1x16xf32>
    %slice3A_77 = vector.extract_strided_slice %add3A {offsets = [512, 0], sizes = [128, 16], strides = [1, 1]} : vector<2048x16xf32> to vector<128x16xf32>
    %dot_general3A_78 = arith.constant dense<0.000000e+00> : vector<128x16xf32>
    %dot_general3A_79 = tpu.matmul %convert_element_type3A_41, %slice3A_77, %dot_general3A_78 {dimension_numbers = #tpu.dot_dimension_numbers<[1], [0], [0], [1], [0, 0, 1, 1], [], []>, transpose_lhs_hint = false} : vector<128x128xf32>, vector<128x16xf32>, vector<128x16xf32> -> vector<128x16xf32>
    %add3A_80 = vector.broadcast %add3A_76 : vector<1x16xf32> to vector<128x16xf32>
    %add3A_81 = arith.addf %dot_general3A_79, %add3A_80 : vector<128x16xf32>
    %reduce_sum3A_82 = arith.constant dense<0.000000e+00> : vector<16xf32>
    %reduce_sum3A_83 = vector.multi_reduction <add>, %slice3A_77, %reduce_sum3A_82 [0] : vector<128x16xf32> to vector<16xf32>
    %broadcast_in_dim3A_84 = vector.shape_cast %reduce_sum3A_83 : vector<16xf32> to vector<1x16xf32>
    %add3A_85 = arith.addf %add3A_76, %broadcast_in_dim3A_84 : vector<1x16xf32>
    %slice3A_86 = vector.extract_strided_slice %add3A {offsets = [640, 0], sizes = [128, 16], strides = [1, 1]} : vector<2048x16xf32> to vector<128x16xf32>
    %dot_general3A_87 = arith.constant dense<0.000000e+00> : vector<128x16xf32>
    %dot_general3A_88 = tpu.matmul %convert_element_type3A_41, %slice3A_86, %dot_general3A_87 {dimension_numbers = #tpu.dot_dimension_numbers<[1], [0], [0], [1], [0, 0, 1, 1], [], []>, transpose_lhs_hint = false} : vector<128x128xf32>, vector<128x16xf32>, vector<128x16xf32> -> vector<128x16xf32>
    %add3A_89 = vector.broadcast %add3A_85 : vector<1x16xf32> to vector<128x16xf32>
    %add3A_90 = arith.addf %dot_general3A_88, %add3A_89 : vector<128x16xf32>
    %reduce_sum3A_91 = arith.constant dense<0.000000e+00> : vector<16xf32>
    %reduce_sum3A_92 = vector.multi_reduction <add>, %slice3A_86, %reduce_sum3A_91 [0] : vector<128x16xf32> to vector<16xf32>
    %broadcast_in_dim3A_93 = vector.shape_cast %reduce_sum3A_92 : vector<16xf32> to vector<1x16xf32>
    %add3A_94 = arith.addf %add3A_85, %broadcast_in_dim3A_93 : vector<1x16xf32>
    %slice3A_95 = vector.extract_strided_slice %add3A {offsets = [768, 0], sizes = [128, 16], strides = [1, 1]} : vector<2048x16xf32> to vector<128x16xf32>
    %dot_general3A_96 = arith.constant dense<0.000000e+00> : vector<128x16xf32>
    %dot_general3A_97 = tpu.matmul %convert_element_type3A_41, %slice3A_95, %dot_general3A_96 {dimension_numbers = #tpu.dot_dimension_numbers<[1], [0], [0], [1], [0, 0, 1, 1], [], []>, transpose_lhs_hint = false} : vector<128x128xf32>, vector<128x16xf32>, vector<128x16xf32> -> vector<128x16xf32>
    %add3A_98 = vector.broadcast %add3A_94 : vector<1x16xf32> to vector<128x16xf32>
    %add3A_99 = arith.addf %dot_general3A_97, %add3A_98 : vector<128x16xf32>
    %reduce_sum3A_100 = arith.constant dense<0.000000e+00> : vector<16xf32>
    %reduce_sum3A_101 = vector.multi_reduction <add>, %slice3A_95, %reduce_sum3A_100 [0] : vector<128x16xf32> to vector<16xf32>
    %broadcast_in_dim3A_102 = vector.shape_cast %reduce_sum3A_101 : vector<16xf32> to vector<1x16xf32>
    %add3A_103 = arith.addf %add3A_94, %broadcast_in_dim3A_102 : vector<1x16xf32>
    %slice3A_104 = vector.extract_strided_slice %add3A {offsets = [896, 0], sizes = [128, 16], strides = [1, 1]} : vector<2048x16xf32> to vector<128x16xf32>
    %dot_general3A_105 = arith.constant dense<0.000000e+00> : vector<128x16xf32>
    %dot_general3A_106 = tpu.matmul %convert_element_type3A_41, %slice3A_104, %dot_general3A_105 {dimension_numbers = #tpu.dot_dimension_numbers<[1], [0], [0], [1], [0, 0, 1, 1], [], []>, transpose_lhs_hint = false} : vector<128x128xf32>, vector<128x16xf32>, vector<128x16xf32> -> vector<128x16xf32>
    %add3A_107 = vector.broadcast %add3A_103 : vector<1x16xf32> to vector<128x16xf32>
    %add3A_108 = arith.addf %dot_general3A_106, %add3A_107 : vector<128x16xf32>
    %reduce_sum3A_109 = arith.constant dense<0.000000e+00> : vector<16xf32>
    %reduce_sum3A_110 = vector.multi_reduction <add>, %slice3A_104, %reduce_sum3A_109 [0] : vector<128x16xf32> to vector<16xf32>
    %broadcast_in_dim3A_111 = vector.shape_cast %reduce_sum3A_110 : vector<16xf32> to vector<1x16xf32>
    %add3A_112 = arith.addf %add3A_103, %broadcast_in_dim3A_111 : vector<1x16xf32>
    %slice3A_113 = vector.extract_strided_slice %add3A {offsets = [1024, 0], sizes = [128, 16], strides = [1, 1]} : vector<2048x16xf32> to vector<128x16xf32>
    %dot_general3A_114 = arith.constant dense<0.000000e+00> : vector<128x16xf32>
    %dot_general3A_115 = tpu.matmul %convert_element_type3A_41, %slice3A_113, %dot_general3A_114 {dimension_numbers = #tpu.dot_dimension_numbers<[1], [0], [0], [1], [0, 0, 1, 1], [], []>, transpose_lhs_hint = false} : vector<128x128xf32>, vector<128x16xf32>, vector<128x16xf32> -> vector<128x16xf32>
    %add3A_116 = vector.broadcast %add3A_112 : vector<1x16xf32> to vector<128x16xf32>
    %add3A_117 = arith.addf %dot_general3A_115, %add3A_116 : vector<128x16xf32>
    %reduce_sum3A_118 = arith.constant dense<0.000000e+00> : vector<16xf32>
    %reduce_sum3A_119 = vector.multi_reduction <add>, %slice3A_113, %reduce_sum3A_118 [0] : vector<128x16xf32> to vector<16xf32>
    %broadcast_in_dim3A_120 = vector.shape_cast %reduce_sum3A_119 : vector<16xf32> to vector<1x16xf32>
    %add3A_121 = arith.addf %add3A_112, %broadcast_in_dim3A_120 : vector<1x16xf32>
    %slice3A_122 = vector.extract_strided_slice %add3A {offsets = [1152, 0], sizes = [128, 16], strides = [1, 1]} : vector<2048x16xf32> to vector<128x16xf32>
    %dot_general3A_123 = arith.constant dense<0.000000e+00> : vector<128x16xf32>
    %dot_general3A_124 = tpu.matmul %convert_element_type3A_41, %slice3A_122, %dot_general3A_123 {dimension_numbers = #tpu.dot_dimension_numbers<[1], [0], [0], [1], [0, 0, 1, 1], [], []>, transpose_lhs_hint = false} : vector<128x128xf32>, vector<128x16xf32>, vector<128x16xf32> -> vector<128x16xf32>
    %add3A_125 = vector.broadcast %add3A_121 : vector<1x16xf32> to vector<128x16xf32>
    %add3A_126 = arith.addf %dot_general3A_124, %add3A_125 : vector<128x16xf32>
    %reduce_sum3A_127 = arith.constant dense<0.000000e+00> : vector<16xf32>
    %reduce_sum3A_128 = vector.multi_reduction <add>, %slice3A_122, %reduce_sum3A_127 [0] : vector<128x16xf32> to vector<16xf32>
    %broadcast_in_dim3A_129 = vector.shape_cast %reduce_sum3A_128 : vector<16xf32> to vector<1x16xf32>
    %add3A_130 = arith.addf %add3A_121, %broadcast_in_dim3A_129 : vector<1x16xf32>
    %slice3A_131 = vector.extract_strided_slice %add3A {offsets = [1280, 0], sizes = [128, 16], strides = [1, 1]} : vector<2048x16xf32> to vector<128x16xf32>
    %dot_general3A_132 = arith.constant dense<0.000000e+00> : vector<128x16xf32>
    %dot_general3A_133 = tpu.matmul %convert_element_type3A_41, %slice3A_131, %dot_general3A_132 {dimension_numbers = #tpu.dot_dimension_numbers<[1], [0], [0], [1], [0, 0, 1, 1], [], []>, transpose_lhs_hint = false} : vector<128x128xf32>, vector<128x16xf32>, vector<128x16xf32> -> vector<128x16xf32>
    %add3A_134 = vector.broadcast %add3A_130 : vector<1x16xf32> to vector<128x16xf32>
    %add3A_135 = arith.addf %dot_general3A_133, %add3A_134 : vector<128x16xf32>
    %reduce_sum3A_136 = arith.constant dense<0.000000e+00> : vector<16xf32>
    %reduce_sum3A_137 = vector.multi_reduction <add>, %slice3A_131, %reduce_sum3A_136 [0] : vector<128x16xf32> to vector<16xf32>
    %broadcast_in_dim3A_138 = vector.shape_cast %reduce_sum3A_137 : vector<16xf32> to vector<1x16xf32>
    %add3A_139 = arith.addf %add3A_130, %broadcast_in_dim3A_138 : vector<1x16xf32>
    %slice3A_140 = vector.extract_strided_slice %add3A {offsets = [1408, 0], sizes = [128, 16], strides = [1, 1]} : vector<2048x16xf32> to vector<128x16xf32>
    %dot_general3A_141 = arith.constant dense<0.000000e+00> : vector<128x16xf32>
    %dot_general3A_142 = tpu.matmul %convert_element_type3A_41, %slice3A_140, %dot_general3A_141 {dimension_numbers = #tpu.dot_dimension_numbers<[1], [0], [0], [1], [0, 0, 1, 1], [], []>, transpose_lhs_hint = false} : vector<128x128xf32>, vector<128x16xf32>, vector<128x16xf32> -> vector<128x16xf32>
    %add3A_143 = vector.broadcast %add3A_139 : vector<1x16xf32> to vector<128x16xf32>
    %add3A_144 = arith.addf %dot_general3A_142, %add3A_143 : vector<128x16xf32>
    %reduce_sum3A_145 = arith.constant dense<0.000000e+00> : vector<16xf32>
    %reduce_sum3A_146 = vector.multi_reduction <add>, %slice3A_140, %reduce_sum3A_145 [0] : vector<128x16xf32> to vector<16xf32>
    %broadcast_in_dim3A_147 = vector.shape_cast %reduce_sum3A_146 : vector<16xf32> to vector<1x16xf32>
    %add3A_148 = arith.addf %add3A_139, %broadcast_in_dim3A_147 : vector<1x16xf32>
    %slice3A_149 = vector.extract_strided_slice %add3A {offsets = [1536, 0], sizes = [128, 16], strides = [1, 1]} : vector<2048x16xf32> to vector<128x16xf32>
    %dot_general3A_150 = arith.constant dense<0.000000e+00> : vector<128x16xf32>
    %dot_general3A_151 = tpu.matmul %convert_element_type3A_41, %slice3A_149, %dot_general3A_150 {dimension_numbers = #tpu.dot_dimension_numbers<[1], [0], [0], [1], [0, 0, 1, 1], [], []>, transpose_lhs_hint = false} : vector<128x128xf32>, vector<128x16xf32>, vector<128x16xf32> -> vector<128x16xf32>
    %add3A_152 = vector.broadcast %add3A_148 : vector<1x16xf32> to vector<128x16xf32>
    %add3A_153 = arith.addf %dot_general3A_151, %add3A_152 : vector<128x16xf32>
    %reduce_sum3A_154 = arith.constant dense<0.000000e+00> : vector<16xf32>
    %reduce_sum3A_155 = vector.multi_reduction <add>, %slice3A_149, %reduce_sum3A_154 [0] : vector<128x16xf32> to vector<16xf32>
    %broadcast_in_dim3A_156 = vector.shape_cast %reduce_sum3A_155 : vector<16xf32> to vector<1x16xf32>
    %add3A_157 = arith.addf %add3A_148, %broadcast_in_dim3A_156 : vector<1x16xf32>
    %slice3A_158 = vector.extract_strided_slice %add3A {offsets = [1664, 0], sizes = [128, 16], strides = [1, 1]} : vector<2048x16xf32> to vector<128x16xf32>
    %dot_general3A_159 = arith.constant dense<0.000000e+00> : vector<128x16xf32>
    %dot_general3A_160 = tpu.matmul %convert_element_type3A_41, %slice3A_158, %dot_general3A_159 {dimension_numbers = #tpu.dot_dimension_numbers<[1], [0], [0], [1], [0, 0, 1, 1], [], []>, transpose_lhs_hint = false} : vector<128x128xf32>, vector<128x16xf32>, vector<128x16xf32> -> vector<128x16xf32>
    %add3A_161 = vector.broadcast %add3A_157 : vector<1x16xf32> to vector<128x16xf32>
    %add3A_162 = arith.addf %dot_general3A_160, %add3A_161 : vector<128x16xf32>
    %reduce_sum3A_163 = arith.constant dense<0.000000e+00> : vector<16xf32>
    %reduce_sum3A_164 = vector.multi_reduction <add>, %slice3A_158, %reduce_sum3A_163 [0] : vector<128x16xf32> to vector<16xf32>
    %broadcast_in_dim3A_165 = vector.shape_cast %reduce_sum3A_164 : vector<16xf32> to vector<1x16xf32>
    %add3A_166 = arith.addf %add3A_157, %broadcast_in_dim3A_165 : vector<1x16xf32>
    %slice3A_167 = vector.extract_strided_slice %add3A {offsets = [1792, 0], sizes = [128, 16], strides = [1, 1]} : vector<2048x16xf32> to vector<128x16xf32>
    %dot_general3A_168 = arith.constant dense<0.000000e+00> : vector<128x16xf32>
    %dot_general3A_169 = tpu.matmul %convert_element_type3A_41, %slice3A_167, %dot_general3A_168 {dimension_numbers = #tpu.dot_dimension_numbers<[1], [0], [0], [1], [0, 0, 1, 1], [], []>, transpose_lhs_hint = false} : vector<128x128xf32>, vector<128x16xf32>, vector<128x16xf32> -> vector<128x16xf32>
    %add3A_170 = vector.broadcast %add3A_166 : vector<1x16xf32> to vector<128x16xf32>
    %add3A_171 = arith.addf %dot_general3A_169, %add3A_170 : vector<128x16xf32>
    %reduce_sum3A_172 = arith.constant dense<0.000000e+00> : vector<16xf32>
    %reduce_sum3A_173 = vector.multi_reduction <add>, %slice3A_167, %reduce_sum3A_172 [0] : vector<128x16xf32> to vector<16xf32>
    %broadcast_in_dim3A_174 = vector.shape_cast %reduce_sum3A_173 : vector<16xf32> to vector<1x16xf32>
    %add3A_175 = arith.addf %add3A_166, %broadcast_in_dim3A_174 : vector<1x16xf32>
    %slice3A_176 = vector.extract_strided_slice %add3A {offsets = [1920, 0], sizes = [128, 16], strides = [1, 1]} : vector<2048x16xf32> to vector<128x16xf32>
    %dot_general3A_177 = arith.constant dense<0.000000e+00> : vector<128x16xf32>
    %dot_general3A_178 = tpu.matmul %convert_element_type3A_41, %slice3A_176, %dot_general3A_177 {dimension_numbers = #tpu.dot_dimension_numbers<[1], [0], [0], [1], [0, 0, 1, 1], [], []>, transpose_lhs_hint = false} : vector<128x128xf32>, vector<128x16xf32>, vector<128x16xf32> -> vector<128x16xf32>
    %add3A_179 = vector.broadcast %add3A_175 : vector<1x16xf32> to vector<128x16xf32>
    %add3A_180 = arith.addf %dot_general3A_178, %add3A_179 : vector<128x16xf32>
    %reduce_sum3A_181 = arith.constant dense<0.000000e+00> : vector<16xf32>
    %reduce_sum3A_182 = vector.multi_reduction <add>, %slice3A_176, %reduce_sum3A_181 [0] : vector<128x16xf32> to vector<16xf32>
    %broadcast_in_dim3A_183 = vector.shape_cast %reduce_sum3A_182 : vector<16xf32> to vector<1x16xf32>
    %add3A_184 = arith.addf %add3A_175, %broadcast_in_dim3A_183 : vector<1x16xf32>
    %concatenate3A = tpu.concatenate %add3A_46, %add3A_54, %add3A_63, %add3A_72, %add3A_81, %add3A_90, %add3A_99, %add3A_108, %add3A_117, %add3A_126, %add3A_135, %add3A_144, %add3A_153, %add3A_162, %add3A_171, %add3A_180 in 0 : vector<128x16xf32>, vector<128x16xf32>, vector<128x16xf32>, vector<128x16xf32>, vector<128x16xf32>, vector<128x16xf32>, vector<128x16xf32>, vector<128x16xf32>, vector<128x16xf32>, vector<128x16xf32>, vector<128x16xf32>, vector<128x16xf32>, vector<128x16xf32>, vector<128x16xf32>, vector<128x16xf32>, vector<128x16xf32> -> vector<2048x16xf32>
    %add3A_185 = arith.constant 1.270000e+02 : f32
    %add3A_186 = vector.broadcast %add3A_185 : f32 to vector<1x16xf32>
    %add3A_187 = arith.addf %add3A_184, %add3A_186 : vector<1x16xf32>
    %div3A = arith.constant 1.280000e+02 : f32
    %div3A_188 = vector.broadcast %div3A : f32 to vector<1x16xf32>
    %div3A_189 = arith.divf %add3A_187, %div3A_188 : vector<1x16xf32>
    %floor3A = math.floor %div3A_189 : vector<1x16xf32>
    %iota3A_190 = tpu.iota {dimensions = array<i32: 0>} : vector<16x16xi32>
    %iota3A_191 = tpu.iota {dimensions = array<i32: 1>} : vector<16x16xi32>
    %lt3A = arith.cmpi slt, %iota3A_190, %iota3A_191 : vector<16x16xi32>
    %convert_element_type3A_192 = arith.extui %lt3A : vector<16x16xi1> to vector<16x16xi32>
    %convert_element_type3A_193 = arith.sitofp %convert_element_type3A_192 : vector<16x16xi32> to vector<16x16xf32>
    %dot_general3A_194 = arith.constant dense<0.000000e+00> : vector<1x16xf32>
    %dot_general3A_195 = tpu.matmul %floor3A, %convert_element_type3A_193, %dot_general3A_194 {dimension_numbers = #tpu.dot_dimension_numbers<[1], [0], [0], [1], [0, 0, 1, 1], [], []>, transpose_lhs_hint = false} : vector<1x16xf32>, vector<16x16xf32>, vector<1x16xf32> -> vector<1x16xf32>
    %mul3A = arith.constant 1.280000e+02 : f32
    %mul3A_196 = vector.broadcast %mul3A : f32 to vector<1x16xf32>
    %mul3A_197 = arith.mulf %dot_general3A_195, %mul3A_196 : vector<1x16xf32>
    %broadcast_in_dim3A_198 = vector.shape_cast %mul3A_197 : vector<1x16xf32> to vector<1x16xf32>
    %broadcast_in_dim3A_199 = vector.broadcast %broadcast_in_dim3A_198 : vector<1x16xf32> to vector<2048x16xf32>
    %add3A_200 = arith.addf %broadcast_in_dim3A_199, %concatenate3A : vector<2048x16xf32>
    %eq3A_201 = vector.broadcast %broadcast_in_dim3A_6 : vector<2048x1xi32> to vector<2048x16xi32>
    %eq3A_202 = arith.cmpi eq, %iota3A, %eq3A_201 : vector<2048x16xi32>
    %jit3A_203 = arith.constant 0.000000e+00 : f32
    %broadcast_in_dim3A_204 = vector.broadcast %jit3A_203 : f32 to vector<2048x16xf32>
    %select_n3A_205 = arith.select %eq3A_202, %add3A_200, %broadcast_in_dim3A_204 : vector<2048x16xi1>, vector<2048x16xf32>
    %reduce_sum3A_206 = arith.constant dense<0.000000e+00> : vector<2048xf32>
    %reduce_sum3A_207 = vector.multi_reduction <add>, %select_n3A_205, %reduce_sum3A_206 [1] : vector<2048x16xf32> to vector<2048xf32>
    %broadcast_in_dim3A_208 = vector.shape_cast %reduce_sum3A_207 : vector<2048xf32> to vector<2048x1xf32>
    %eq3A_209 = vector.broadcast %broadcast_in_dim3A_22 : vector<2048x1xi32> to vector<2048x16xi32>
    %eq3A_210 = arith.cmpi eq, %iota3A, %eq3A_209 : vector<2048x16xi32>
    %jit3A_211 = arith.constant 0.000000e+00 : f32
    %broadcast_in_dim3A_212 = vector.broadcast %jit3A_211 : f32 to vector<2048x16xf32>
    %select_n3A_213 = arith.select %eq3A_210, %add3A_200, %broadcast_in_dim3A_212 : vector<2048x16xi1>, vector<2048x16xf32>
    %reduce_sum3A_214 = arith.constant dense<0.000000e+00> : vector<2048xf32>
    %reduce_sum3A_215 = vector.multi_reduction <add>, %select_n3A_213, %reduce_sum3A_214 [1] : vector<2048x16xf32> to vector<2048xf32>
    %broadcast_in_dim3A_216 = vector.shape_cast %reduce_sum3A_215 : vector<2048xf32> to vector<2048x1xf32>
    %convert_element_type3A_217 = arith.fptosi %broadcast_in_dim3A_208 : vector<2048x1xf32> to vector<2048x1xi32>
    %swap3A = arith.constant 0 : index
    %swap3A_218 = arith.constant 0 : index
    %swap3A_219 = vector.load %arg1[%swap3A, %swap3A_218] : memref<2048x1xi32, #tpu.memory_space<vmem>>, vector<2048x1xi32>
    tpu.vector_store %arg1[%swap3A, %swap3A_218], %convert_element_type3A_217 {strides = array<i32>} : memref<2048x1xi32, #tpu.memory_space<vmem>>, vector<2048x1xi32>,
    %convert_element_type3A_220 = arith.fptosi %broadcast_in_dim3A_216 : vector<2048x1xf32> to vector<2048x1xi32>
    %swap3A_221 = arith.constant 0 : index
    %swap3A_222 = arith.constant 0 : index
    %swap3A_223 = vector.load %arg2[%swap3A_221, %swap3A_222] : memref<2048x1xi32, #tpu.memory_space<vmem>>, vector<2048x1xi32>
    tpu.vector_store %arg2[%swap3A_221, %swap3A_222], %convert_element_type3A_220 {strides = array<i32>} : memref<2048x1xi32, #tpu.memory_space<vmem>>, vector<2048x1xi32>,
    %broadcast_in_dim3A_224 = vector.shape_cast %logistic3A_27 : vector<2048x1xf32> to vector<2048x1xf32>
    %broadcast_in_dim3A_225 = vector.broadcast %broadcast_in_dim3A_224 : vector<2048x1xf32> to vector<2048x16xf32>
    %swap3A_226 = arith.constant 0 : index
    %swap3A_227 = arith.constant 0 : index
    %swap3A_228 = vector.load %arg3[%swap3A_226, %swap3A_227] : memref<2048x16xf32, #tpu.memory_space<vmem>>, vector<2048x16xf32>
    tpu.vector_store %arg3[%swap3A_226, %swap3A_227], %broadcast_in_dim3A_225 {strides = array<i32>} : memref<2048x16xf32, #tpu.memory_space<vmem>>, vector<2048x16xf32>,
    %broadcast_in_dim3A_229 = vector.shape_cast %sub3A_30 : vector<2048x1xf32> to vector<2048x1xf32>
    %broadcast_in_dim3A_230 = vector.broadcast %broadcast_in_dim3A_229 : vector<2048x1xf32> to vector<2048x16xf32>
    %swap3A_231 = arith.constant 0 : index
    %swap3A_232 = arith.constant 0 : index
    %swap3A_233 = vector.load %arg4[%swap3A_231, %swap3A_232] : memref<2048x16xf32, #tpu.memory_space<vmem>>, vector<2048x16xf32>
    tpu.vector_store %arg4[%swap3A_231, %swap3A_232], %broadcast_in_dim3A_230 {strides = array<i32>} : memref<2048x16xf32, #tpu.memory_space<vmem>>, vector<2048x16xf32>,
    %convert_element_type3A_234 = arith.fptosi %dot_general3A_195 : vector<1x16xf32> to vector<1x16xi32>
    %broadcast_in_dim3A_235 = vector.shape_cast %convert_element_type3A_234 : vector<1x16xi32> to vector<1x16xi32>
    %broadcast_in_dim3A_236 = vector.broadcast %broadcast_in_dim3A_235 : vector<1x16xi32> to vector<8x16xi32>
    %swap3A_237 = arith.constant 0 : index
    %swap3A_238 = arith.constant 0 : index
    %swap3A_239 = vector.load %arg5[%swap3A_237, %swap3A_238] : memref<8x16xi32, #tpu.memory_space<vmem>>, vector<8x16xi32>
    tpu.vector_store %arg5[%swap3A_237, %swap3A_238], %broadcast_in_dim3A_236 {strides = array<i32>} : memref<8x16xi32, #tpu.memory_space<vmem>>, vector<8x16xi32>,
    %convert_element_type3A_240 = arith.fptosi %floor3A : vector<1x16xf32> to vector<1x16xi32>
    %broadcast_in_dim3A_241 = vector.shape_cast %convert_element_type3A_240 : vector<1x16xi32> to vector<1x16xi32>
    %broadcast_in_dim3A_242 = vector.broadcast %broadcast_in_dim3A_241 : vector<1x16xi32> to vector<8x16xi32>
    %swap3A_243 = arith.constant 0 : index
    %swap3A_244 = arith.constant 0 : index
    %swap3A_245 = vector.load %arg6[%swap3A_243, %swap3A_244] : memref<8x16xi32, #tpu.memory_space<vmem>>, vector<8x16xi32>
    tpu.vector_store %arg6[%swap3A_243, %swap3A_244], %broadcast_in_dim3A_242 {strides = array<i32>} : memref<8x16xi32, #tpu.memory_space<vmem>>, vector<8x16xi32>,
    return
  }
}

module attributes {stable_mosaic.version = 14 : i64} {
  func.func @_mm_body(%arg0: i32, %arg1: i32, %arg2: memref<16xi32, #tpu.memory_space<smem>>, %arg3: memref<16xi32, #tpu.memory_space<smem>>, %arg4: memref<6144x1024xf32, #tpu.memory_space<any>>, %arg5: memref<1x1024x1408xf32, #tpu.memory_space<vmem>>, %arg6: memref<1x1024x1408xf32, #tpu.memory_space<vmem>>, %arg7: memref<1x1408x1024xf32, #tpu.memory_space<vmem>>, %arg8: memref<6144x1024xf32, #tpu.memory_space<any>>, %arg9: memref<2x128x1024xf32, #tpu.memory_space<vmem>>, %arg10: memref<2048x1024xf32, #tpu.memory_space<vmem>>, %arg11: memref<!tpu.dma_semaphore, #tpu.memory_space<semaphore_mem>>, %arg12: memref<!tpu.dma_semaphore, #tpu.memory_space<semaphore_mem>>) attributes {dimension_semantics = [#tpu.dimension_semantics<arbitrary>, #tpu.dimension_semantics<arbitrary>], iteration_bounds = array<i64: 16, 2>, scalar_prefetch = 2 : i64, scratch_operands = 4 : i64, tpu.core_type = #tpu.core_type<tc>, window_params = [{}, {transform_indices = @transform_1, window_bounds = array<i64: 1, 1024, 1408>}, {transform_indices = @transform_2, window_bounds = array<i64: 1, 1024, 1408>}, {transform_indices = @transform_3, window_bounds = array<i64: 1, 1408, 1024>}, {}]} {
    %get3A = arith.index_cast %arg0 : i32 to index
    %get3A_0 = memref.load %arg2[%get3A] : memref<16xi32, #tpu.memory_space<smem>>
    %get3A_1 = arith.index_cast %arg0 : i32 to index
    %get3A_2 = memref.load %arg3[%get3A_1] : memref<16xi32, #tpu.memory_space<smem>>
    %gt3A = arith.constant 0 : i32
    %gt3A_3 = arith.cmpi sgt, %get3A_2, %gt3A : i32
    %convert_element_type3A = arith.extui %gt3A_3 : i1 to i32
    %cond3A = arith.constant 0 : i32
    %cond3A_4 = arith.cmpi ne, %convert_element_type3A, %cond3A : i32
    scf.if %cond3A_4 {
      %mul3A = arith.constant 128 : i32
      %mul3A_18 = arith.muli %get3A_0, %mul3A : i32
      %dma_start3A = arith.constant 0 : i32
      %dma_start3A_19 = arith.constant 0 : i32
      %dma_start3A_20 = arith.constant 0 : i32
      %dma_start3A_21 = tpu.memref_slice %arg9[%dma_start3A, %dma_start3A_19, %dma_start3A_20] : memref<2x128x1024xf32, #tpu.memory_space<vmem>> -> memref<1x128x1024xf32, #tpu.memory_space<vmem>>
      %dma_start3A_22 = tpu.memref_squeeze %dma_start3A_21 : memref<1x128x1024xf32, #tpu.memory_space<vmem>> -> memref<128x1024xf32, #tpu.memory_space<vmem>>
      %dma_start3A_23 = arith.constant 0 : i32
      %dma_start3A_24 = tpu.memref_slice %arg4[%mul3A_18, %dma_start3A_23] : memref<6144x1024xf32, #tpu.memory_space<any>> -> memref<128x1024xf32, #tpu.memory_space<any>>
      tpu.enqueue_dma source(%dma_start3A_24 : memref<128x1024xf32, #tpu.memory_space<any>>) target(%dma_start3A_22 : memref<128x1024xf32, #tpu.memory_space<vmem>>) target_semaphore(%arg11 : memref<!tpu.dma_semaphore, #tpu.memory_space<semaphore_mem>>)
    } else {
    }
    %while3A = arith.constant 0 : i32
    %while3A_5 = arith.constant 0 : i32
    %while3A_6 = arith.subi %get3A_2, %while3A_5 : i32
    %while3A_7 = arith.addi %while3A_5, %while3A_6 : i32
    %while3A_8 = arith.constant 1 : i32
    %while3A_9 = arith.divsi %while3A_6, %while3A_8 : i32
    %while3A_10 = arith.muli %while3A_9, %while3A_8 : i32
    %while3A_11 = arith.addi %while3A_5, %while3A_10 : i32
    %while3A_12 = arith.constant 1 : i32
    scf.for %while3A_18 = %while3A_5 to %while3A_11 step %while3A_12  : i32 {
      %rem3A = arith.constant 2 : i32
      %rem3A_19 = arith.remsi %while3A_18, %rem3A : i32
      %add3A = arith.addi %get3A_0, %while3A_18 : i32
      %mul3A = arith.constant 128 : i32
      %mul3A_20 = arith.muli %add3A, %mul3A : i32
      %dma_wait3A = arith.constant 0 : i32
      %dma_wait3A_21 = arith.constant 0 : i32
      %dma_wait3A_22 = tpu.memref_slice %arg9[%rem3A_19, %dma_wait3A, %dma_wait3A_21] : memref<2x128x1024xf32, #tpu.memory_space<vmem>> -> memref<1x128x1024xf32, #tpu.memory_space<vmem>>
      %dma_wait3A_23 = tpu.memref_squeeze %dma_wait3A_22 : memref<1x128x1024xf32, #tpu.memory_space<vmem>> -> memref<128x1024xf32, #tpu.memory_space<vmem>>
      %dma_wait3A_24 = arith.constant 0 : i32
      %dma_wait3A_25 = tpu.memref_slice %arg4[%mul3A_20, %dma_wait3A_24] : memref<6144x1024xf32, #tpu.memory_space<any>> -> memref<128x1024xf32, #tpu.memory_space<any>>
      tpu.wait_dma2 semaphore(%arg11 : memref<!tpu.dma_semaphore, #tpu.memory_space<semaphore_mem>>) src(%dma_wait3A_25 : memref<128x1024xf32, #tpu.memory_space<any>>) dst(%dma_wait3A_23 : memref<128x1024xf32, #tpu.memory_space<vmem>>)
      %add3A_26 = arith.constant 1 : i32
      %add3A_27 = arith.addi %while3A_18, %add3A_26 : i32
      %lt3A = arith.cmpi slt, %add3A_27, %get3A_2 : i32
      %convert_element_type3A_28 = arith.extui %lt3A : i1 to i32
      %cond3A_29 = arith.constant 0 : i32
      %cond3A_30 = arith.cmpi ne, %convert_element_type3A_28, %cond3A_29 : i32
      scf.if %cond3A_30 {
        %add3A_75 = arith.addi %get3A_0, %while3A_18 : i32
        %add3A_76 = arith.constant 1 : i32
        %add3A_77 = arith.addi %add3A_75, %add3A_76 : i32
        %mul3A_78 = arith.constant 128 : i32
        %mul3A_79 = arith.muli %add3A_77, %mul3A_78 : i32
        %sub3A = arith.constant 1 : i32
        %sub3A_80 = arith.subi %sub3A, %rem3A_19 : i32
        %dma_start3A = arith.constant 0 : i32
        %dma_start3A_81 = arith.constant 0 : i32
        %dma_start3A_82 = tpu.memref_slice %arg9[%sub3A_80, %dma_start3A, %dma_start3A_81] : memref<2x128x1024xf32, #tpu.memory_space<vmem>> -> memref<1x128x1024xf32, #tpu.memory_space<vmem>>
        %dma_start3A_83 = tpu.memref_squeeze %dma_start3A_82 : memref<1x128x1024xf32, #tpu.memory_space<vmem>> -> memref<128x1024xf32, #tpu.memory_space<vmem>>
        %dma_start3A_84 = arith.constant 0 : i32
        %dma_start3A_85 = tpu.memref_slice %arg4[%mul3A_79, %dma_start3A_84] : memref<6144x1024xf32, #tpu.memory_space<any>> -> memref<128x1024xf32, #tpu.memory_space<any>>
        tpu.enqueue_dma source(%dma_start3A_85 : memref<128x1024xf32, #tpu.memory_space<any>>) target(%dma_start3A_83 : memref<128x1024xf32, #tpu.memory_space<vmem>>) target_semaphore(%arg11 : memref<!tpu.dma_semaphore, #tpu.memory_space<semaphore_mem>>)
      } else {
      }
      %get3A_31 = arith.index_cast %rem3A_19 : i32 to index
      %get3A_32 = arith.constant 0 : index
      %get3A_33 = arith.constant 0 : index
      %get3A_34 = vector.load %arg9[%get3A_31, %get3A_32, %get3A_33] : memref<2x128x1024xf32, #tpu.memory_space<vmem>>, vector<1x128x1024xf32>
      %get3A_35 = vector.shape_cast %get3A_34 : vector<1x128x1024xf32> to vector<128x1024xf32>
      %get3A_36 = arith.constant 0 : index
      %get3A_37 = arith.constant 0 : index
      %get3A_38 = arith.constant 0 : index
      %get3A_39 = vector.load %arg5[%get3A_36, %get3A_37, %get3A_38] : memref<1x1024x1408xf32, #tpu.memory_space<vmem>>, vector<1x1024x1408xf32>
      %get3A_40 = vector.shape_cast %get3A_39 : vector<1x1024x1408xf32> to vector<1024x1408xf32>
      %dot_general3A = arith.constant dense<0.000000e+00> : vector<128x1408xf32>
      %dot_general3A_41 = tpu.matmul %get3A_35, %get3A_40, %dot_general3A {dimension_numbers = #tpu.dot_dimension_numbers<[1], [0], [0], [1], [0, 0, 1, 1], [], []>, transpose_lhs_hint = false} : vector<128x1024xf32>, vector<1024x1408xf32>, vector<128x1408xf32> -> vector<128x1408xf32>
      %get3A_42 = arith.constant 0 : index
      %get3A_43 = arith.constant 0 : index
      %get3A_44 = arith.constant 0 : index
      %get3A_45 = vector.load %arg6[%get3A_42, %get3A_43, %get3A_44] : memref<1x1024x1408xf32, #tpu.memory_space<vmem>>, vector<1x1024x1408xf32>
      %get3A_46 = vector.shape_cast %get3A_45 : vector<1x1024x1408xf32> to vector<1024x1408xf32>
      %dot_general3A_47 = arith.constant dense<0.000000e+00> : vector<128x1408xf32>
      %dot_general3A_48 = tpu.matmul %get3A_35, %get3A_46, %dot_general3A_47 {dimension_numbers = #tpu.dot_dimension_numbers<[1], [0], [0], [1], [0, 0, 1, 1], [], []>, transpose_lhs_hint = false} : vector<128x1024xf32>, vector<1024x1408xf32>, vector<128x1408xf32> -> vector<128x1408xf32>
      %logistic3A = arith.negf %dot_general3A_41 : vector<128x1408xf32>
      %logistic3A_49 = math.exp %logistic3A : vector<128x1408xf32>
      %logistic3A_50 = arith.constant 1.000000e+00 : f32
      %logistic3A_51 = vector.broadcast %logistic3A_50 : f32 to vector<128x1408xf32>
      %logistic3A_52 = arith.addf %logistic3A_51, %logistic3A_49 : vector<128x1408xf32>
      %logistic3A_53 = arith.divf %logistic3A_51, %logistic3A_52 : vector<128x1408xf32>
      %mul3A_54 = arith.mulf %dot_general3A_41, %logistic3A_53 : vector<128x1408xf32>
      %mul3A_55 = arith.mulf %mul3A_54, %dot_general3A_48 : vector<128x1408xf32>
      %get3A_56 = arith.constant 0 : index
      %get3A_57 = arith.constant 0 : index
      %get3A_58 = arith.constant 0 : index
      %get3A_59 = vector.load %arg7[%get3A_56, %get3A_57, %get3A_58] : memref<1x1408x1024xf32, #tpu.memory_space<vmem>>, vector<1x1408x1024xf32>
      %get3A_60 = vector.shape_cast %get3A_59 : vector<1x1408x1024xf32> to vector<1408x1024xf32>
      %dot_general3A_61 = arith.constant dense<0.000000e+00> : vector<128x1024xf32>
      %dot_general3A_62 = tpu.matmul %mul3A_55, %get3A_60, %dot_general3A_61 {dimension_numbers = #tpu.dot_dimension_numbers<[1], [0], [0], [1], [0, 0, 1, 1], [], []>, transpose_lhs_hint = false} : vector<128x1408xf32>, vector<1408x1024xf32>, vector<128x1024xf32> -> vector<128x1024xf32>
      %mul3A_63 = arith.constant 128 : i32
      %mul3A_64 = arith.muli %while3A_18, %mul3A_63 : i32
      %eq3A_65 = arith.constant 0 : i32
      %eq3A_66 = arith.cmpi eq, %arg1, %eq3A_65 : i32
      %convert_element_type3A_67 = arith.extui %eq3A_66 : i1 to i32
      %cond3A_68 = arith.constant 0 : i32
      %cond3A_69 = arith.cmpi ne, %convert_element_type3A_67, %cond3A_68 : i32
      scf.if %cond3A_69 {
        %swap3A = arith.index_cast %mul3A_64 : i32 to index
        %swap3A_75 = arith.constant 0 : index
        %swap3A_76 = vector.load %arg10[%swap3A, %swap3A_75] : memref<2048x1024xf32, #tpu.memory_space<vmem>>, vector<128x1024xf32>
        tpu.vector_store %arg10[%swap3A, %swap3A_75], %dot_general3A_62 {strides = array<i32>} : memref<2048x1024xf32, #tpu.memory_space<vmem>>, vector<128x1024xf32>,
      } else {
      }
      %gt3A_70 = arith.constant 0 : i32
      %gt3A_71 = arith.cmpi sgt, %arg1, %gt3A_70 : i32
      %convert_element_type3A_72 = arith.extui %gt3A_71 : i1 to i32
      %cond3A_73 = arith.constant 0 : i32
      %cond3A_74 = arith.cmpi ne, %convert_element_type3A_72, %cond3A_73 : i32
      scf.if %cond3A_74 {
        %get3A_75 = arith.index_cast %mul3A_64 : i32 to index
        %get3A_76 = arith.constant 0 : index
        %get3A_77 = vector.load %arg10[%get3A_75, %get3A_76] : memref<2048x1024xf32, #tpu.memory_space<vmem>>, vector<128x1024xf32>
        %add3A_78 = arith.addf %get3A_77, %dot_general3A_62 : vector<128x1024xf32>
        %swap3A = arith.index_cast %mul3A_64 : i32 to index
        %swap3A_79 = arith.constant 0 : index
        %swap3A_80 = vector.load %arg10[%swap3A, %swap3A_79] : memref<2048x1024xf32, #tpu.memory_space<vmem>>, vector<128x1024xf32>
        tpu.vector_store %arg10[%swap3A, %swap3A_79], %add3A_78 {strides = array<i32>} : memref<2048x1024xf32, #tpu.memory_space<vmem>>, vector<128x1024xf32>,
      } else {
      }
    }
    %while3A_13 = arith.constant 1 : i32
    scf.for %while3A_18 = %while3A_11 to %while3A_7 step %while3A_13  : i32 {
      %rem3A = arith.constant 2 : i32
      %rem3A_19 = arith.remsi %while3A_18, %rem3A : i32
      %add3A = arith.addi %get3A_0, %while3A_18 : i32
      %mul3A = arith.constant 128 : i32
      %mul3A_20 = arith.muli %add3A, %mul3A : i32
      %dma_wait3A = arith.constant 0 : i32
      %dma_wait3A_21 = arith.constant 0 : i32
      %dma_wait3A_22 = tpu.memref_slice %arg9[%rem3A_19, %dma_wait3A, %dma_wait3A_21] : memref<2x128x1024xf32, #tpu.memory_space<vmem>> -> memref<1x128x1024xf32, #tpu.memory_space<vmem>>
      %dma_wait3A_23 = tpu.memref_squeeze %dma_wait3A_22 : memref<1x128x1024xf32, #tpu.memory_space<vmem>> -> memref<128x1024xf32, #tpu.memory_space<vmem>>
      %dma_wait3A_24 = arith.constant 0 : i32
      %dma_wait3A_25 = tpu.memref_slice %arg4[%mul3A_20, %dma_wait3A_24] : memref<6144x1024xf32, #tpu.memory_space<any>> -> memref<128x1024xf32, #tpu.memory_space<any>>
      tpu.wait_dma2 semaphore(%arg11 : memref<!tpu.dma_semaphore, #tpu.memory_space<semaphore_mem>>) src(%dma_wait3A_25 : memref<128x1024xf32, #tpu.memory_space<any>>) dst(%dma_wait3A_23 : memref<128x1024xf32, #tpu.memory_space<vmem>>)
      %add3A_26 = arith.constant 1 : i32
      %add3A_27 = arith.addi %while3A_18, %add3A_26 : i32
      %lt3A = arith.cmpi slt, %add3A_27, %get3A_2 : i32
      %convert_element_type3A_28 = arith.extui %lt3A : i1 to i32
      %cond3A_29 = arith.constant 0 : i32
      %cond3A_30 = arith.cmpi ne, %convert_element_type3A_28, %cond3A_29 : i32
      scf.if %cond3A_30 {
        %add3A_75 = arith.addi %get3A_0, %while3A_18 : i32
        %add3A_76 = arith.constant 1 : i32
        %add3A_77 = arith.addi %add3A_75, %add3A_76 : i32
        %mul3A_78 = arith.constant 128 : i32
        %mul3A_79 = arith.muli %add3A_77, %mul3A_78 : i32
        %sub3A = arith.constant 1 : i32
        %sub3A_80 = arith.subi %sub3A, %rem3A_19 : i32
        %dma_start3A = arith.constant 0 : i32
        %dma_start3A_81 = arith.constant 0 : i32
        %dma_start3A_82 = tpu.memref_slice %arg9[%sub3A_80, %dma_start3A, %dma_start3A_81] : memref<2x128x1024xf32, #tpu.memory_space<vmem>> -> memref<1x128x1024xf32, #tpu.memory_space<vmem>>
        %dma_start3A_83 = tpu.memref_squeeze %dma_start3A_82 : memref<1x128x1024xf32, #tpu.memory_space<vmem>> -> memref<128x1024xf32, #tpu.memory_space<vmem>>
        %dma_start3A_84 = arith.constant 0 : i32
        %dma_start3A_85 = tpu.memref_slice %arg4[%mul3A_79, %dma_start3A_84] : memref<6144x1024xf32, #tpu.memory_space<any>> -> memref<128x1024xf32, #tpu.memory_space<any>>
        tpu.enqueue_dma source(%dma_start3A_85 : memref<128x1024xf32, #tpu.memory_space<any>>) target(%dma_start3A_83 : memref<128x1024xf32, #tpu.memory_space<vmem>>) target_semaphore(%arg11 : memref<!tpu.dma_semaphore, #tpu.memory_space<semaphore_mem>>)
      } else {
      }
      %get3A_31 = arith.index_cast %rem3A_19 : i32 to index
      %get3A_32 = arith.constant 0 : index
      %get3A_33 = arith.constant 0 : index
      %get3A_34 = vector.load %arg9[%get3A_31, %get3A_32, %get3A_33] : memref<2x128x1024xf32, #tpu.memory_space<vmem>>, vector<1x128x1024xf32>
      %get3A_35 = vector.shape_cast %get3A_34 : vector<1x128x1024xf32> to vector<128x1024xf32>
      %get3A_36 = arith.constant 0 : index
      %get3A_37 = arith.constant 0 : index
      %get3A_38 = arith.constant 0 : index
      %get3A_39 = vector.load %arg5[%get3A_36, %get3A_37, %get3A_38] : memref<1x1024x1408xf32, #tpu.memory_space<vmem>>, vector<1x1024x1408xf32>
      %get3A_40 = vector.shape_cast %get3A_39 : vector<1x1024x1408xf32> to vector<1024x1408xf32>
      %dot_general3A = arith.constant dense<0.000000e+00> : vector<128x1408xf32>
      %dot_general3A_41 = tpu.matmul %get3A_35, %get3A_40, %dot_general3A {dimension_numbers = #tpu.dot_dimension_numbers<[1], [0], [0], [1], [0, 0, 1, 1], [], []>, transpose_lhs_hint = false} : vector<128x1024xf32>, vector<1024x1408xf32>, vector<128x1408xf32> -> vector<128x1408xf32>
      %get3A_42 = arith.constant 0 : index
      %get3A_43 = arith.constant 0 : index
      %get3A_44 = arith.constant 0 : index
      %get3A_45 = vector.load %arg6[%get3A_42, %get3A_43, %get3A_44] : memref<1x1024x1408xf32, #tpu.memory_space<vmem>>, vector<1x1024x1408xf32>
      %get3A_46 = vector.shape_cast %get3A_45 : vector<1x1024x1408xf32> to vector<1024x1408xf32>
      %dot_general3A_47 = arith.constant dense<0.000000e+00> : vector<128x1408xf32>
      %dot_general3A_48 = tpu.matmul %get3A_35, %get3A_46, %dot_general3A_47 {dimension_numbers = #tpu.dot_dimension_numbers<[1], [0], [0], [1], [0, 0, 1, 1], [], []>, transpose_lhs_hint = false} : vector<128x1024xf32>, vector<1024x1408xf32>, vector<128x1408xf32> -> vector<128x1408xf32>
      %logistic3A = arith.negf %dot_general3A_41 : vector<128x1408xf32>
      %logistic3A_49 = math.exp %logistic3A : vector<128x1408xf32>
      %logistic3A_50 = arith.constant 1.000000e+00 : f32
      %logistic3A_51 = vector.broadcast %logistic3A_50 : f32 to vector<128x1408xf32>
      %logistic3A_52 = arith.addf %logistic3A_51, %logistic3A_49 : vector<128x1408xf32>
      %logistic3A_53 = arith.divf %logistic3A_51, %logistic3A_52 : vector<128x1408xf32>
      %mul3A_54 = arith.mulf %dot_general3A_41, %logistic3A_53 : vector<128x1408xf32>
      %mul3A_55 = arith.mulf %mul3A_54, %dot_general3A_48 : vector<128x1408xf32>
      %get3A_56 = arith.constant 0 : index
      %get3A_57 = arith.constant 0 : index
      %get3A_58 = arith.constant 0 : index
      %get3A_59 = vector.load %arg7[%get3A_56, %get3A_57, %get3A_58] : memref<1x1408x1024xf32, #tpu.memory_space<vmem>>, vector<1x1408x1024xf32>
      %get3A_60 = vector.shape_cast %get3A_59 : vector<1x1408x1024xf32> to vector<1408x1024xf32>
      %dot_general3A_61 = arith.constant dense<0.000000e+00> : vector<128x1024xf32>
      %dot_general3A_62 = tpu.matmul %mul3A_55, %get3A_60, %dot_general3A_61 {dimension_numbers = #tpu.dot_dimension_numbers<[1], [0], [0], [1], [0, 0, 1, 1], [], []>, transpose_lhs_hint = false} : vector<128x1408xf32>, vector<1408x1024xf32>, vector<128x1024xf32> -> vector<128x1024xf32>
      %mul3A_63 = arith.constant 128 : i32
      %mul3A_64 = arith.muli %while3A_18, %mul3A_63 : i32
      %eq3A_65 = arith.constant 0 : i32
      %eq3A_66 = arith.cmpi eq, %arg1, %eq3A_65 : i32
      %convert_element_type3A_67 = arith.extui %eq3A_66 : i1 to i32
      %cond3A_68 = arith.constant 0 : i32
      %cond3A_69 = arith.cmpi ne, %convert_element_type3A_67, %cond3A_68 : i32
      scf.if %cond3A_69 {
        %swap3A = arith.index_cast %mul3A_64 : i32 to index
        %swap3A_75 = arith.constant 0 : index
        %swap3A_76 = vector.load %arg10[%swap3A, %swap3A_75] : memref<2048x1024xf32, #tpu.memory_space<vmem>>, vector<128x1024xf32>
        tpu.vector_store %arg10[%swap3A, %swap3A_75], %dot_general3A_62 {strides = array<i32>} : memref<2048x1024xf32, #tpu.memory_space<vmem>>, vector<128x1024xf32>,
      } else {
      }
      %gt3A_70 = arith.constant 0 : i32
      %gt3A_71 = arith.cmpi sgt, %arg1, %gt3A_70 : i32
      %convert_element_type3A_72 = arith.extui %gt3A_71 : i1 to i32
      %cond3A_73 = arith.constant 0 : i32
      %cond3A_74 = arith.cmpi ne, %convert_element_type3A_72, %cond3A_73 : i32
      scf.if %cond3A_74 {
        %get3A_75 = arith.index_cast %mul3A_64 : i32 to index
        %get3A_76 = arith.constant 0 : index
        %get3A_77 = vector.load %arg10[%get3A_75, %get3A_76] : memref<2048x1024xf32, #tpu.memory_space<vmem>>, vector<128x1024xf32>
        %add3A_78 = arith.addf %get3A_77, %dot_general3A_62 : vector<128x1024xf32>
        %swap3A = arith.index_cast %mul3A_64 : i32 to index
        %swap3A_79 = arith.constant 0 : index
        %swap3A_80 = vector.load %arg10[%swap3A, %swap3A_79] : memref<2048x1024xf32, #tpu.memory_space<vmem>>, vector<128x1024xf32>
        tpu.vector_store %arg10[%swap3A, %swap3A_79], %add3A_78 {strides = array<i32>} : memref<2048x1024xf32, #tpu.memory_space<vmem>>, vector<128x1024xf32>,
      } else {
      }
    }
    %eq3A = arith.constant 1 : i32
    %eq3A_14 = arith.cmpi eq, %arg1, %eq3A : i32
    %convert_element_type3A_15 = arith.extui %eq3A_14 : i1 to i32
    %cond3A_16 = arith.constant 0 : i32
    %cond3A_17 = arith.cmpi ne, %convert_element_type3A_15, %cond3A_16 : i32
    scf.if %cond3A_17 {
      %while3A_18 = arith.constant 0 : i32
      %while3A_19 = arith.constant 0 : i32
      %while3A_20 = arith.subi %get3A_2, %while3A_19 : i32
      %while3A_21 = arith.addi %while3A_19, %while3A_20 : i32
      %while3A_22 = arith.constant 1 : i32
      %while3A_23 = arith.divsi %while3A_20, %while3A_22 : i32
      %while3A_24 = arith.muli %while3A_23, %while3A_22 : i32
      %while3A_25 = arith.addi %while3A_19, %while3A_24 : i32
      %while3A_26 = arith.constant 1 : i32
      scf.for %while3A_38 = %while3A_19 to %while3A_25 step %while3A_26  : i32 {
        %mul3A = arith.constant 128 : i32
        %mul3A_39 = arith.muli %while3A_38, %mul3A : i32
        %add3A = arith.addi %get3A_0, %while3A_38 : i32
        %mul3A_40 = arith.constant 128 : i32
        %mul3A_41 = arith.muli %add3A, %mul3A_40 : i32
        %dma_start3A = arith.constant 0 : i32
        %dma_start3A_42 = tpu.memref_slice %arg8[%mul3A_41, %dma_start3A] : memref<6144x1024xf32, #tpu.memory_space<any>> -> memref<128x1024xf32, #tpu.memory_space<any>>
        %dma_start3A_43 = arith.constant 0 : i32
        %dma_start3A_44 = tpu.memref_slice %arg10[%mul3A_39, %dma_start3A_43] : memref<2048x1024xf32, #tpu.memory_space<vmem>> -> memref<128x1024xf32, #tpu.memory_space<vmem>>
        tpu.enqueue_dma source(%dma_start3A_44 : memref<128x1024xf32, #tpu.memory_space<vmem>>) target(%dma_start3A_42 : memref<128x1024xf32, #tpu.memory_space<any>>) target_semaphore(%arg12 : memref<!tpu.dma_semaphore, #tpu.memory_space<semaphore_mem>>)
      }
      %while3A_27 = arith.constant 1 : i32
      scf.for %while3A_38 = %while3A_25 to %while3A_21 step %while3A_27  : i32 {
        %mul3A = arith.constant 128 : i32
        %mul3A_39 = arith.muli %while3A_38, %mul3A : i32
        %add3A = arith.addi %get3A_0, %while3A_38 : i32
        %mul3A_40 = arith.constant 128 : i32
        %mul3A_41 = arith.muli %add3A, %mul3A_40 : i32
        %dma_start3A = arith.constant 0 : i32
        %dma_start3A_42 = tpu.memref_slice %arg8[%mul3A_41, %dma_start3A] : memref<6144x1024xf32, #tpu.memory_space<any>> -> memref<128x1024xf32, #tpu.memory_space<any>>
        %dma_start3A_43 = arith.constant 0 : i32
        %dma_start3A_44 = tpu.memref_slice %arg10[%mul3A_39, %dma_start3A_43] : memref<2048x1024xf32, #tpu.memory_space<vmem>> -> memref<128x1024xf32, #tpu.memory_space<vmem>>
        tpu.enqueue_dma source(%dma_start3A_44 : memref<128x1024xf32, #tpu.memory_space<vmem>>) target(%dma_start3A_42 : memref<128x1024xf32, #tpu.memory_space<any>>) target_semaphore(%arg12 : memref<!tpu.dma_semaphore, #tpu.memory_space<semaphore_mem>>)
      }
      %while3A_28 = arith.constant 0 : i32
      %while3A_29 = arith.constant 0 : i32
      %while3A_30 = arith.subi %get3A_2, %while3A_29 : i32
      %while3A_31 = arith.addi %while3A_29, %while3A_30 : i32
      %while3A_32 = arith.constant 1 : i32
      %while3A_33 = arith.divsi %while3A_30, %while3A_32 : i32
      %while3A_34 = arith.muli %while3A_33, %while3A_32 : i32
      %while3A_35 = arith.addi %while3A_29, %while3A_34 : i32
      %while3A_36 = arith.constant 1 : i32
      scf.for %while3A_38 = %while3A_29 to %while3A_35 step %while3A_36  : i32 {
        %dma_wait3A = arith.constant 0 : i32
        %dma_wait3A_39 = arith.constant 0 : i32
        %dma_wait3A_40 = tpu.memref_slice %arg8[%dma_wait3A, %dma_wait3A_39] : memref<6144x1024xf32, #tpu.memory_space<any>> -> memref<128x1024xf32, #tpu.memory_space<any>>
        %dma_wait3A_41 = arith.constant 0 : i32
        %dma_wait3A_42 = arith.constant 0 : i32
        %dma_wait3A_43 = tpu.memref_slice %arg10[%dma_wait3A_41, %dma_wait3A_42] : memref<2048x1024xf32, #tpu.memory_space<vmem>> -> memref<128x1024xf32, #tpu.memory_space<vmem>>
        tpu.wait_dma2 semaphore(%arg12 : memref<!tpu.dma_semaphore, #tpu.memory_space<semaphore_mem>>) src(%dma_wait3A_43 : memref<128x1024xf32, #tpu.memory_space<vmem>>) dst(%dma_wait3A_40 : memref<128x1024xf32, #tpu.memory_space<any>>)
      }
      %while3A_37 = arith.constant 1 : i32
      scf.for %while3A_38 = %while3A_35 to %while3A_31 step %while3A_37  : i32 {
        %dma_wait3A = arith.constant 0 : i32
        %dma_wait3A_39 = arith.constant 0 : i32
        %dma_wait3A_40 = tpu.memref_slice %arg8[%dma_wait3A, %dma_wait3A_39] : memref<6144x1024xf32, #tpu.memory_space<any>> -> memref<128x1024xf32, #tpu.memory_space<any>>
        %dma_wait3A_41 = arith.constant 0 : i32
        %dma_wait3A_42 = arith.constant 0 : i32
        %dma_wait3A_43 = tpu.memref_slice %arg10[%dma_wait3A_41, %dma_wait3A_42] : memref<2048x1024xf32, #tpu.memory_space<vmem>> -> memref<128x1024xf32, #tpu.memory_space<vmem>>
        tpu.wait_dma2 semaphore(%arg12 : memref<!tpu.dma_semaphore, #tpu.memory_space<semaphore_mem>>) src(%dma_wait3A_43 : memref<128x1024xf32, #tpu.memory_space<vmem>>) dst(%dma_wait3A_40 : memref<128x1024xf32, #tpu.memory_space<any>>)
      }
    } else {
    }
    return
  }
  func.func @transform_1(%arg0: i32, %arg1: i32, %arg2: memref<16xi32, #tpu.memory_space<smem>>, %arg3: memref<16xi32, #tpu.memory_space<smem>>) -> (i32, i32, i32) {
    %c0_i32 = arith.constant 0 : i32
    %c0_i32_0 = arith.constant 0 : i32
    return %arg0, %c0_i32, %arg1 : i32, i32, i32
  }
  func.func @transform_2(%arg0: i32, %arg1: i32, %arg2: memref<16xi32, #tpu.memory_space<smem>>, %arg3: memref<16xi32, #tpu.memory_space<smem>>) -> (i32, i32, i32) {
    %add3A = arith.constant 2 : i32
    %add3A_0 = arith.addi %add3A, %arg1 : i32
    %c0_i32 = arith.constant 0 : i32
    %c0_i32_1 = arith.constant 0 : i32
    return %arg0, %c0_i32, %add3A_0 : i32, i32, i32
  }
  func.func @transform_3(%arg0: i32, %arg1: i32, %arg2: memref<16xi32, #tpu.memory_space<smem>>, %arg3: memref<16xi32, #tpu.memory_space<smem>>) -> (i32, i32, i32) {
    %c0_i32 = arith.constant 0 : i32
    %c0_i32_0 = arith.constant 0 : i32
    return %arg0, %arg1, %c0_i32 : i32, i32, i32
  }
}

</mosaic_0001>

<sc_bundles>
// kernel: kernel.6.cloned.1.call-start
scs
__scs_entry_jumppad:
0x0: {  	(pc) =	sbr.rel $0x88, $3  }
0x1: {  	(tag) =	ssettag $0x0;
	lr =	simm.s32 $0x1  }
0x2: {  	[smem:$0x3F9D] =	sst lr;
	_ =	strace $0xD0000000  }
0x3: {  	_ = 	snop  }
0x4: {  	_ = 	snop  }
0x5: {  	_ = 	snop  }
0x6: {  	_ = 	snop  }
0x7: {  	_ = 	snop  }
__scs_overlays_trampoline_lowered:
0x8: {  	[smem:$0x3FAC] =	sst s0  }
0x9: {  	[smem:$0x3FAD] =	sst s1  }
0xa: {  	[smem:$0x3FAE] =	sst s2  }
0xb: {  	[smem:$0x3FAF] =	sst s3  }
0xc: {  	[smem:$0x3FB0] =	sst s4  }
0xd: {  	[smem:$0x3FB1] =	sst s5  }
0xe: {  	[smem:$0x3FB2] =	sst s6  }
0xf: {  	[smem:$0x3FB3] =	sst s7  }
0x10: {  	[smem:$0x3FB4] =	sst s8  }
0x11: {  	[smem:$0x3FB5] =	sst s9;
	s0 =	simm.s32 @!p0 $0x0  }
0x12: {  	s1 =	sld [smem:$0x3F9B];
	s0 =	simm.s32 @p0 $0x1  }
0x13: {  	[smem:$0x3FB6] =	sst s0;
	s0 =	simm.s32 @!p1 $0x0  }
0x14: {  	s2 =	sld [smem:$0x3F9A];
	s0 =	simm.s32 @p1 $0x1  }
0x15: {  	[smem:$0x3FB7] =	sst s0;
	s0 =	simm.s32 @!p2 $0x0  }
0x16: {  	s3 =	sld [smem:$0x3FDB];
	s0 =	simm.s32 @p2 $0x1  }
0x17: {  	s4 =	simm.s32 $0x1BF5;
	[smem:$0x3FB9] =	sst s0  }
0x18: {  	s0 =	sld [smem:$0x3F9C];
	_ =	swait.ge [sflag:s4], $0x0  }
0x19: {  	s7 =	sld [smem:$0x3F9D]  }
0x1a: {  	s8 =	sadd.s32 $0xFFFFE003, lr  }
0x1b: {  	s9 =	sadd.s32 $0xFFFFFEF7, lr;
	s5 =	simm.s32 $0xFFFFFFFF;
	p2 =	slt.u32 s8, $0xFFFFF086  }
0x1c: {  	p1 =	slt.u32 s9, $0xF7A;
	s5 =	simm.s32 @!p2 $0x0  }
0x1d: {  	s5 =	simm.s32 @p1 $0x1;
	p0 =	seq.s32 s7, s2  }
0x1e: {  	s7 =	smul.u32 @!p0 $0xF7A, s2;
	p2 =	seq.s32 @!p0 s5, $0x0  }
0x1f: {  	s9 =	smul.u32 $0xF7A, s1;
	s8 =	simm.s32 @!p0 $0x1BF5;
	p2 =	por !p2, p0  }
0x20: {  	[sflag:s8] =	ssyncset.s32 @!p0 $0xFFFFF086;
	s6 =	sadd.s32 @!p0 s3, s7;
	s7 =	simm.s32 @!p0 $0x108  }
0x21: {  	s3 =	sadd.s32 s3, s9;
	s6 =	sadd.s32 @!p0 $0x88, s6;
	s7 =	simm.s32 @p2 $0x1082  }
0x22: {  	[simem:s7], [sflag:s8] =	dma.local @!p0 [hbm:s6], $0xF7A  }
0x23: {  	s9 =	sor.u32 $0xD0000000, s2;
	s6 =	simm.s32 $0x108;
	_ =	swait.ge @!p0 [sflag:s8], $0x0  }
0x24: {  	s3 =	sadd.s32 $0x88, s3;
	s6 =	simm.s32 @!p1 $0x1082;
	[sflag:s4] =	ssyncset.s32 $0xFFFFF086  }
0x25: {  	[simem:s6], [sflag:s4] =	dma.local [hbm:s3], $0xF7A  }
0x26: {  	[smem:$0x3F9D] =	sst s1;
	(tag) =	ssettag s2;
	_ =	strace s9  }
0x27: {  	s1 =	sld [smem:$0x3FAD]  }
0x28: {  	s2 =	sld [smem:$0x3FAE]  }
0x29: {  	s4 =	sld [smem:$0x3FB0]  }
0x2a: {  	p0 =	seq.s32 s5, $0x0;
	s5 =	sld [smem:$0x3FB1]  }
0x2b: {  	s6 =	sld [smem:$0x3FB2]  }
0x2c: {  	s7 =	sld [smem:$0x3FB3]  }
0x2d: {  	s3 =	simm.s32 $0x108;
	s8 =	sld [smem:$0x3FB4]  }
0x2e: {  	s3 =	simm.s32 @!p0 $0x1082;
	s9 =	sld [smem:$0x3FB5]  }
0x2f: {  	lr =	sadd.s32 s0, s3;
	s0 =	sld [smem:$0x3FAC]  }
0x30: {  	s3 =	sld [smem:$0x3FAF]  }
0x31: {  	[smem:$0x3FB8] =	sst s10  }
0x32: {  	s10 =	sld [smem:$0x3FB6];
	_ =	sdelay $0x3  }
0x33: {  	p0 =	seq.s32 s10, $0x1;
	s10 =	sld [smem:$0x3FB8];
	_ =	sdelay $0x3  }
0x34: {  	[smem:$0x3FB8] =	sst s10  }
0x35: {  	s10 =	sld [smem:$0x3FB7];
	_ =	sdelay $0x3  }
0x36: {  	p1 =	seq.s32 s10, $0x1;
	s10 =	sld [smem:$0x3FB8];
	_ =	sdelay $0x3  }
0x37: {  	[smem:$0x3FB8] =	sst s10  }
0x38: {  	s10 =	sld [smem:$0x3FB9]  }
0x39: {  	_ = 	snop;
	(pc) =	sbr.ind lr, $3  }
0x3a: {  	_ = 	snop  }
0x3b: {  	_ = 	snop  }
0x3c: {  	p2 =	seq.s32 s10, $0x1;
	s10 =	sld [smem:$0x3FB8]  }
0x3d: {  	_ =	shalt  }
0x3e: {  	_ =	shalt  }
0x3f: {  	_ =	shalt  }
0x40: {  	_ =	shalt  }
0x41: {  	_ =	shalt  }
0x42: {  	_ =	shalt  }
0x43: {  	_ =	shalt  }
0x44: {  	_ =	shalt  }
0x45: {  	_ =	shalt  }
0x46: {  	_ =	shalt  }
0x47: {  	_ =	shalt  }
0x48: {  	_ =	shalt  }
0x49: {  	_ =	shalt  }
0x4a: {  	_ =	shalt  }
0x4b: {  	_ =	shalt  }
0x4c: {  	_ =	shalt  }
0x4d: {  	_ =	shalt  }
0x4e: {  	_ =	shalt  }
0x4f: {  	_ =	shalt  }
0x50: {  	_ =	shalt  }
0x51: {  	_ =	shalt  }
0x52: {  	_ =	shalt  }
0x53: {  	_ =	shalt  }
0x54: {  	_ =	shalt  }
0x55: {  	_ =	shalt  }
0x56: {  	_ =	shalt  }
0x57: {  	_ =	shalt  }
0x58: {  	_ =	shalt  }
0x59: {  	_ =	shalt  }
0x5a: {  	_ =	shalt  }
0x5b: {  	_ =	shalt  }
0x5c: {  	_ =	shalt  }
0x5d: {  	_ =	shalt  }
0x5e: {  	_ =	shalt  }
0x5f: {  	_ =	shalt  }
0x60: {  	_ =	shalt  }
0x61: {  	_ =	shalt  }
0x62: {  	_ =	shalt  }
0x63: {  	_ =	shalt  }
0x64: {  	_ =	shalt  }
0x65: {  	_ =	shalt  }
0x66: {  	_ =	shalt  }
0x67: {  	_ =	shalt  }
0x68: {  	_ =	shalt  }
0x69: {  	_ =	shalt  }
0x6a: {  	_ =	shalt  }
0x6b: {  	_ =	shalt  }
0x6c: {  	_ =	shalt  }
0x6d: {  	_ =	shalt  }
0x6e: {  	_ =	shalt  }
0x6f: {  	_ =	shalt  }
0x70: {  	_ =	shalt  }
0x71: {  	_ =	shalt  }
0x72: {  	_ =	shalt  }
0x73: {  	_ =	shalt  }
0x74: {  	_ =	shalt  }
0x75: {  	_ =	shalt  }
0x76: {  	_ =	shalt  }
0x77: {  	_ =	shalt  }
0x78: {  	_ =	shalt  }
0x79: {  	_ =	shalt  }
0x7a: {  	_ =	shalt  }
0x7b: {  	_ =	shalt  }
0x7c: {  	_ =	shalt  }
0x7d: {  	_ =	shalt  }
0x7e: {  	_ =	shalt  }
0x7f: {  	_ =	shalt  }
0x80: {  	_ =	shalt  }
0x81: {  	_ =	shalt  }
0x82: {  	_ =	shalt  }
0x83: {  	_ =	shalt  }
0x84: {  	_ =	shalt  }
0x85: {  	_ =	shalt  }
0x86: {  	_ =	shalt  }
0x87: {  	_ =	shalt  }
.Lfunc_end0:
.L_simem_size_0:
called_computation_lowered:
.L_overlay_start_0:
0x88: {  	s2 =	sld [smem:$0x3FD9]  }
0x89: {  	s3 =	sld [smem:$0x3FFE];
	_ =	sdelay $0x1  }
0x8a: {  	s1 =	srdreg.scid  }
0x8b: {  	s0 =	sand.u32 $0x1, s1  }
0x8c: {  	s17 =	sshll.u32 s0, $0xA;
	s2 =	sadd.s32 s3, s2  }
0x8d: {  	s2 =	sadd.s32 s2, s17  }
0x8e: {  	[smem:$0x3FC4] =	sst s2  }
0x8f: {  	_ = 	snop  }
0x90: {  	s2 =	sld [smem:$0x3FC9];
	(tm) =	ssettm $0x1  }
0x91: {  	s18 =	sld [smem:$0x3FFB];
	_ =	sdelay $0x3  }
0x92: {  	_ =	strace s18  }
0x93: {  	s3 =	sld [smem:$0x3FFC];
	_ =	sdelay $0x3  }
0x94: {  	_ =	strace s3  }
0x95: {  	s3 =	sld [smem:$0x3FFD];
	_ =	sdelay $0x3  }
0x96: {  	_ =	strace s3  }
0x97: {  	_ =	strace $0x8FFFFFFF  }
0x98: {  	s19 =	sld [smem:$0x3FDB];
	_ =	sdelay $0x1  }
0x99: {  	s4 =	simm.s32 $_scs_section_size  }
0x9a: {  	s5 =	simm.s32 $_size__tile_overlayer_lowered;
	s6 =	simm.s32 $_tile_overlayer_lowered  }
0x9b: {  	s22 =	simm.s32 $0x1BFF;
	s21 =	sshll.u32 s6, $0x1;
	s3 =	sadd.s32 s4, s19  }
0x9c: {  	s7 =	simm.s32 $0x0;
	s20 =	sshll.u32 s5, $0x1;
	s5 =	sadd.s32 s21, s3  }
0x9d: {  	[timem:s7], [sflag:s22] =	dma.local [hbm:s5], s20  }
0x9e: {  	_ =	swait.ge [sflag:s22], s20  }
0x9f: {  	s4 =	ssub.s32 $0x0, s20;
	[sflag:s22] =	ssyncset.done $0x0  }
0xa0: {  	[sflag:s22] =	ssyncadd.s32 s4;
	_ =	sdelay $0x1  }
0xa1: {  	s23 =	simm.s32 $0x1B8B  }
0xa2: {  	_ =	swait.ge [sflag:s23], $0x1  }
0xa3: {  	[sflag:s23] =	ssyncset.done $0x0  }
0xa4: {  	s25 =	simm.s32 $0x1B8E;
	s24 =	sld [smem:$0x3FFE];
	[sflag:s23] =	ssyncadd.s32 $0xFFFFFFFF  }
0xa5: {  	s26 =	simm.s32 $execute0_lowered;
	[smem:$0x3FD2] =	sst s25  }
0xa6: {  	s5 =	sshll.u32 s26, $0x1;
	_ =	strace $0x80000046;
	[dreg:$0x1] =	wrdreg $0xFFFFFFFF  }
0xa7: {  	s28 =	simm.s32 $_size_execute0_lowered;
	s3 =	sadd.s32 s3, s5;
	[dreg:$0x0] =	wrdreg $0x0  }
0xa8: {  	s5 =	sshll.u32 s28, $0x1;
	[dreg:$0x2] =	wrdreg s3  }
0xa9: {  	[dreg:$0x3] =	wrdreg s5  }
0xaa: {  	[dreg:$0x4] =	wrdreg $0xC0  }
0xab: {  	_ =	task [dreg:s7], $0x5FFFF  }
0xac: {  	[dreg:$0x1] =	wrdreg $0xFFFFFFFF  }
0xad: {  	[dreg:$0x0] =	wrdreg $0x60  }
0xae: {  	[dreg:$0x2] =	wrdreg s2  }
0xaf: {  	[dreg:$0x3] =	wrdreg s24  }
0xb0: {  	[dreg:$0x4] =	wrdreg $0x9  }
0xb1: {  	_ =	task.clear_ibuf [dreg:s7], $0x5FFFF;
	_ =	strace $0x90000046  }
0xb2: {  	s29 =	simm.s32 $0x9;
	_ =	strace $0x80000048  }
0xb3: {  	_ =	swait.ge [sflag:s29], $0x1  }
0xb4: {  	[sflag:s29] =	ssyncadd.s32 $0xFFFFFFFF  }
0xb5: {  	_ =	strace $0x90000048  }
0xb6: {  	_ =	sfence  }
0xb7: {  	s30 =	sld [smem:$0x0];
	_ =	sdelay $0x2  }
0xb8: {  	s31 =	sshll.u32 s1, $0xD;
	s1 =	sshrl.u32 s1, $0x2  }
0xb9: {  	s3 =	sand.u32 $0x4000, s31;
	s1 =	sadd.s32 s1, s30  }
0xba: {  	s0 =	sor.u32 s3, s0;
	s1 =	sshll.u32 s1, $0x11  }
0xbb: {  	s0 =	sor.u32 s1, s0  }
0xbc: {  	s0 =	sadd.s32 $0x8F2B, s0  }
0xbd: {  	[sflag:s0] =	ssyncadd.remote.s32 $0x1  }
0xbe: {  	_ =	sfence.sel $0xFFFF  }
0xbf: {  	[dreg:$0x0] =	wrdreg $0xFFFFFFFF;
	(pc) =	sbr.abs _section_cstart, $3  }
0xc0: {  	[dreg:$0x1] =	wrdreg $0xFFFFFFFF  }
0xc1: {  	_ =	task.clear_ibuf [dreg:s7], $0x2FFFF;
	_ =	strace $0x9FFFFFFF  }
0xc2: {  	(tm) =	ssettm $0x7FFFFFFF  }
0xc3: {  	_ =	shalt  }
tec
execute0_lowered:
.L_overlay_start_1:
0x0: {  	(tag) =	ssettag $0x1  }
0x1: {  	s0 =	srdreg.scid;
	s1 =	rddreg [dreg:$0x0]  }
0x2: {  	s2 =	stileid.u32;
	s6 =	rddreg [dreg:$0x1];
	s8 =	simm.s32 $0x1  }
0x3: {  	s26 =	simm.s32 $0x80;
	s20 =	simm.s32 $0x1900;
	s21 =	simm.s32 $0x2100  }
0x4: {  	s22 =	simm.s32 $0x2900;
	s23 =	simm.s32 $0x3100;
	s24 =	simm.s32 $0x3900  }
0x5: {  	s28 =	simm.s32 $0x5100;
	s29 =	simm.s32 $0x5900;
	s30 =	simm.s32 $0x6100  }
0x6: {  	s31 =	simm.s32 $0x6900;
	s10 =	simm.s32 $0x8100;
	s11 =	simm.s32 $0x8900  }
0x7: {  	s12 =	simm.s32 $0x9100;
	s13 =	simm.s32 $0x9900;
	s14 =	simm.s32 $0xA100  }
0x8: {  	s15 =	simm.s32 $0xA900;
	s16 =	simm.s32 $0xB100;
	s0 =	sand.u32 $0x1, s0  }
0x9: {  	s17 =	simm.s32 $0xB900;
	s2 =	sshll.u32 s2, $0x7;
	s3 =	sshll.u32 s0, $0x6  }
0xa: {  	s0 =	ssub.s32 $0x2, s0;
	s3 =	sor.u32 s3, s2;
	s2 =	simm.s32 $0x0  }
0xb: {  	s25 =	sshrl.u32 s0, $0x1;
	s4 =	sshrl.u32 s3, $0x3;
	[smem:$0x7FF] =	sst s2  }
0xc: {  	s3 =	sshll.u32 s3, $0x7;
	s0 =	ssub.s32 s0, s25;
	s4 =	sadd.s32 s4, s6  }
0xd: {  	_ =	strace $0x80000047;
	s1 =	sadd.s32 s1, s3;
	[dreg:$0x6] =	wrdreg s26  }
0xe: {  	s25 =	simm.s32 $0x4100;
	s5 =	sadd.s32 $0x10600, s4;
	[dreg:$0x5] =	wrdreg s1  }
0xf: {  	v2 =	vlaneseq.u32;
	s3 =	sadd.s32 $0x10A00, s6;
	s4 =	sadd.s32 $0x10800, s4;
	[dreg:$0x3] =	wrdreg s5  }
0x10: {  	vm0 =	vmmov $0xffff;
	v1 =	vshrl.u32 v2, $0x3;
	s7 =	smax.u32 s0, $0x1;
	s26 =	simm.s32 $0x4900;
	[dreg:$0x4] =	wrdreg s4  }
0x11: {  	v0 =	vand.u32 $0x7, v2;
	v2 =	vor.u32 $0x8, v2;
	v1 =	vmul.u32 $0x8, v1;
	s4 =	sadd.s32 $0x10B00, s6;
	s5 =	sadd.s32 $0x10C00, s6;
	s6 =	sadd.s32 $0x10D00, s6  }
.LBB2_1:
0x12: {  	s18 =	rddreg [dreg:$0x3]  }
0x13: {  	[tilespmem:s2], [sflag:$0x1] =	stream.linear.gather [hbm4b:s18+s2], $0x40, $0x38;
	[tilespmem:$0x10100] =	vst v63  }
0x14: {  	_ =	swait.ge [sflag:s8], $0x40  }
0x15: {  	s1 =	rddreg [dreg:$0x4];
	[sflag:s8] =	ssyncset.done $0x0  }
0x16: {  	s19 =	rddreg [dreg:$0x6];
	[sflag:s8] =	ssyncadd.s32 $0xFFFFFFC0  }
0x17: {  	[tilespmem:s19], [sflag:$0x1] =	stream.linear.gather [hbm4b:s1+s2], $0x40, $0x38;
	[tilespmem:$0x10100] =	vst v63  }
0x18: {  	_ =	swait.ge [sflag:s8], $0x40  }
0x19: {  	[sflag:s8] =	ssyncset.done $0x0  }
0x1a: {  	s0 =	simm.s32 $0x100;
	s9 =	rddreg [dreg:$0x5];
	[sflag:s8] =	ssyncadd.s32 $0xFFFFFFC0  }
0x1b: {  	[tilespmem:s0], [sflag:$0x1] =	stream.linear.gather [hbm4b:s9+s2], $0x10000, $0x38;
	[tilespmem:$0x10100] =	vst v63  }
0x1c: {  	_ =	swait.ge [sflag:s8], $0x10000  }
0x1d: {  	[sflag:s8] =	ssyncset.done $0x0  }
0x1e: {  	[sflag:s8] =	ssyncadd.s32 $0xFFFF0000  }
0x1f: {  	v3 =	vld [tilespmem:$0x0];
	_ =	sdelay $0x4  }
0x20: {  	v4 =	vshll.u32 v3, $0x3  }
0x21: {  	v3 =	vand.u32 $0x7, v3;
	v4 =	vand.u32 $0xFFFFFFC0, v4  }
0x22: {  	v3 =	vor.u32 v3, v4  }
0x23: {  	v4 =	vperm.xlane v3, v0;
	_ =	sdelay $0x1  }
0x24: {  	v4 =	vadd.s32 v1, v4;
	_ =	sdelay $0x4  }
0x25: {  	[hbm4b:s3+s2] =	stream.indirect_vreg.scatter [tilespmem:s0], [sflag:$0x1], $0x80, v4, vm0, $0xb8;
	[tilespmem:$0x10100] =	vst v63  }
0x26: {  	s18 =	simm.s32 $0x900;
	v3 =	vperm.xlane v3, v2  }
0x27: {  	[hbm4b:s4+s2] =	stream.indirect_vreg.scatter [tilespmem:s18], [sflag:$0x1], $0x80, v4, vm0, $0xb8;
	[tilespmem:$0x10100] =	vst v63  }
0x28: {  	s19 =	simm.s32 $0x1100;
	v3 =	vadd.s32 v1, v3  }
0x29: {  	[hbm4b:s5+s2] =	stream.indirect_vreg.scatter [tilespmem:s19], [sflag:$0x1], $0x80, v4, vm0, $0xb8;
	[tilespmem:$0x10100] =	vst v63  }
0x2a: {  	_ = 	snop  }
0x2b: {  	[hbm4b:s6+s2] =	stream.indirect_vreg.scatter [tilespmem:s20], [sflag:$0x1], $0x80, v4, vm0, $0xb8;
	[tilespmem:$0x10100] =	vst v63  }
0x2c: {  	_ = 	snop  }
0x2d: {  	[hbm4b:s3+s2] =	stream.indirect_vreg.scatter [tilespmem:s21], [sflag:$0x1], $0x80, v3, vm0, $0xb8;
	[tilespmem:$0x10100] =	vst v63  }
0x2e: {  	_ = 	snop  }
0x2f: {  	[hbm4b:s4+s2] =	stream.indirect_vreg.scatter [tilespmem:s22], [sflag:$0x1], $0x80, v3, vm0, $0xb8;
	[tilespmem:$0x10100] =	vst v63  }
0x30: {  	_ = 	snop  }
0x31: {  	[hbm4b:s5+s2] =	stream.indirect_vreg.scatter [tilespmem:s23], [sflag:$0x1], $0x80, v3, vm0, $0xb8;
	[tilespmem:$0x10100] =	vst v63  }
0x32: {  	_ = 	snop  }
0x33: {  	[hbm4b:s6+s2] =	stream.indirect_vreg.scatter [tilespmem:s24], [sflag:$0x1], $0x80, v3, vm0, $0xb8;
	[tilespmem:$0x10100] =	vst v63  }
0x34: {  	v3 =	vld [tilespmem:$0x10];
	_ =	sdelay $0x4  }
0x35: {  	v57 =	vshll.u32 v3, $0x3  }
0x36: {  	v3 =	vand.u32 $0x7, v3;
	v4 =	vand.u32 $0xFFFFFFC0, v57  }
0x37: {  	v3 =	vor.u32 v3, v4  }
0x38: {  	v4 =	vperm.xlane v3, v0;
	_ =	sdelay $0x1  }
0x39: {  	v4 =	vadd.s32 v1, v4;
	_ =	sdelay $0x4  }
0x3a: {  	[hbm4b:s3+s2] =	stream.indirect_vreg.scatter [tilespmem:s25], [sflag:$0x1], $0x80, v4, vm0, $0xb8;
	[tilespmem:$0x10100] =	vst v63  }
0x3b: {  	v3 =	vperm.xlane v3, v2  }
0x3c: {  	[hbm4b:s4+s2] =	stream.indirect_vreg.scatter [tilespmem:s26], [sflag:$0x1], $0x80, v4, vm0, $0xb8;
	[tilespmem:$0x10100] =	vst v63  }
0x3d: {  	v3 =	vadd.s32 v1, v3  }
0x3e: {  	[hbm4b:s5+s2] =	stream.indirect_vreg.scatter [tilespmem:s28], [sflag:$0x1], $0x80, v4, vm0, $0xb8;
	[tilespmem:$0x10100] =	vst v63  }
0x3f: {  	_ = 	snop  }
0x40: {  	[hbm4b:s6+s2] =	stream.indirect_vreg.scatter [tilespmem:s29], [sflag:$0x1], $0x80, v4, vm0, $0xb8;
	[tilespmem:$0x10100] =	vst v63  }
0x41: {  	_ = 	snop  }
0x42: {  	[hbm4b:s3+s2] =	stream.indirect_vreg.scatter [tilespmem:s30], [sflag:$0x1], $0x80, v3, vm0, $0xb8;
	[tilespmem:$0x10100] =	vst v63  }
0x43: {  	_ = 	snop  }
0x44: {  	[hbm4b:s4+s2] =	stream.indirect_vreg.scatter [tilespmem:s31], [sflag:$0x1], $0x80, v3, vm0, $0xb8;
	[tilespmem:$0x10100] =	vst v63  }
0x45: {  	s1 =	simm.s32 $0x7100  }
0x46: {  	[hbm4b:s5+s2] =	stream.indirect_vreg.scatter [tilespmem:s1], [sflag:$0x1], $0x80, v3, vm0, $0xb8;
	[tilespmem:$0x10100] =	vst v63  }
0x47: {  	s9 =	simm.s32 $0x7900  }
0x48: {  	[hbm4b:s6+s2] =	stream.indirect_vreg.scatter [tilespmem:s9], [sflag:$0x1], $0x80, v3, vm0, $0xb8;
	[tilespmem:$0x10100] =	vst v63  }
0x49: {  	v3 =	vld [tilespmem:$0x20];
	_ =	sdelay $0x4  }
0x4a: {  	v58 =	vshll.u32 v3, $0x3  }
0x4b: {  	v3 =	vand.u32 $0x7, v3;
	v4 =	vand.u32 $0xFFFFFFC0, v58  }
0x4c: {  	v3 =	vor.u32 v3, v4  }
0x4d: {  	v4 =	vperm.xlane v3, v0;
	_ =	sdelay $0x1  }
0x4e: {  	v4 =	vadd.s32 v1, v4;
	_ =	sdelay $0x4  }
0x4f: {  	[hbm4b:s3+s2] =	stream.indirect_vreg.scatter [tilespmem:s10], [sflag:$0x1], $0x80, v4, vm0, $0xb8;
	[tilespmem:$0x10100] =	vst v63  }
0x50: {  	v3 =	vperm.xlane v3, v2  }
0x51: {  	[hbm4b:s4+s2] =	stream.indirect_vreg.scatter [tilespmem:s11], [sflag:$0x1], $0x80, v4, vm0, $0xb8;
	[tilespmem:$0x10100] =	vst v63  }
0x52: {  	v3 =	vadd.s32 v1, v3  }
0x53: {  	[hbm4b:s5+s2] =	stream.indirect_vreg.scatter [tilespmem:s12], [sflag:$0x1], $0x80, v4, vm0, $0xb8;
	[tilespmem:$0x10100] =	vst v63  }
0x54: {  	_ = 	snop  }
0x55: {  	[hbm4b:s6+s2] =	stream.indirect_vreg.scatter [tilespmem:s13], [sflag:$0x1], $0x80, v4, vm0, $0xb8;
	[tilespmem:$0x10100] =	vst v63  }
0x56: {  	_ = 	snop  }
0x57: {  	[hbm4b:s3+s2] =	stream.indirect_vreg.scatter [tilespmem:s14], [sflag:$0x1], $0x80, v3, vm0, $0xb8;
	[tilespmem:$0x10100] =	vst v63  }
0x58: {  	_ = 	snop  }
0x59: {  	[hbm4b:s4+s2] =	stream.indirect_vreg.scatter [tilespmem:s15], [sflag:$0x1], $0x80, v3, vm0, $0xb8;
	[tilespmem:$0x10100] =	vst v63  }
0x5a: {  	_ = 	snop  }
0x5b: {  	[hbm4b:s5+s2] =	stream.indirect_vreg.scatter [tilespmem:s16], [sflag:$0x1], $0x80, v3, vm0, $0xb8;
	[tilespmem:$0x10100] =	vst v63  }
0x5c: {  	_ = 	snop  }
0x5d: {  	[hbm4b:s6+s2] =	stream.indirect_vreg.scatter [tilespmem:s17], [sflag:$0x1], $0x80, v3, vm0, $0xb8;
	[tilespmem:$0x10100] =	vst v63  }
0x5e: {  	v3 =	vld [tilespmem:$0x30];
	_ =	sdelay $0x4  }
0x5f: {  	v59 =	vshll.u32 v3, $0x3  }
0x60: {  	v3 =	vand.u32 $0x7, v3;
	v4 =	vand.u32 $0xFFFFFFC0, v59  }
0x61: {  	v3 =	vor.u32 v3, v4  }
0x62: {  	v4 =	vperm.xlane v3, v0;
	_ =	sdelay $0x1  }
0x63: {  	v4 =	vadd.s32 v1, v4;
	_ =	sdelay $0x3  }
0x64: {  	s9 =	simm.s32 $0xC100  }
0x65: {  	[hbm4b:s3+s2] =	stream.indirect_vreg.scatter [tilespmem:s9], [sflag:$0x1], $0x80, v4, vm0, $0xb8;
	[tilespmem:$0x10100] =	vst v63  }
0x66: {  	s1 =	simm.s32 $0xC900;
	v3 =	vperm.xlane v3, v2  }
0x67: {  	[hbm4b:s4+s2] =	stream.indirect_vreg.scatter [tilespmem:s1], [sflag:$0x1], $0x80, v4, vm0, $0xb8;
	[tilespmem:$0x10100] =	vst v63  }
0x68: {  	v3 =	vadd.s32 v1, v3;
	s1 =	simm.s32 $0xD100  }
0x69: {  	[hbm4b:s5+s2] =	stream.indirect_vreg.scatter [tilespmem:s1], [sflag:$0x1], $0x80, v4, vm0, $0xb8;
	[tilespmem:$0x10100] =	vst v63  }
0x6a: {  	s1 =	simm.s32 $0xD900  }
0x6b: {  	[hbm4b:s6+s2] =	stream.indirect_vreg.scatter [tilespmem:s1], [sflag:$0x1], $0x80, v4, vm0, $0xb8;
	[tilespmem:$0x10100] =	vst v63  }
0x6c: {  	s1 =	simm.s32 $0xE100  }
0x6d: {  	[hbm4b:s3+s2] =	stream.indirect_vreg.scatter [tilespmem:s1], [sflag:$0x1], $0x80, v3, vm0, $0xb8;
	[tilespmem:$0x10100] =	vst v63  }
0x6e: {  	s1 =	simm.s32 $0xE900  }
0x6f: {  	[hbm4b:s4+s2] =	stream.indirect_vreg.scatter [tilespmem:s1], [sflag:$0x1], $0x80, v3, vm0, $0xb8;
	[tilespmem:$0x10100] =	vst v63  }
0x70: {  	s1 =	simm.s32 $0xF100  }
0x71: {  	[hbm4b:s5+s2] =	stream.indirect_vreg.scatter [tilespmem:s1], [sflag:$0x1], $0x80, v3, vm0, $0xb8;
	[tilespmem:$0x10100] =	vst v63  }
0x72: {  	s1 =	simm.s32 $0xF900  }
0x73: {  	[hbm4b:s6+s2] =	stream.indirect_vreg.scatter [tilespmem:s1], [sflag:$0x1], $0x80, v3, vm0, $0xb8;
	[tilespmem:$0x10100] =	vst v63  }
0x74: {  	_ =	swait.ge [sflag:s8], $0x10000  }
0x75: {  	[sflag:s8] =	ssyncset.done $0x0  }
0x76: {  	[sflag:s8] =	ssyncadd.s32 $0xFFFF0000  }
0x77: {  	v3 =	vld [tilespmem:$0x80];
	_ =	sdelay $0x4  }
0x78: {  	v60 =	vshll.u32 v3, $0x3  }
0x79: {  	v3 =	vand.u32 $0x7, v3;
	v4 =	vand.u32 $0xFFFFFFC0, v60  }
0x7a: {  	v3 =	vor.u32 v3, v4  }
0x7b: {  	v4 =	vperm.xlane v3, v0;
	_ =	sdelay $0x1  }
0x7c: {  	v4 =	vadd.s32 v1, v4;
	_ =	sdelay $0x4  }
0x7d: {  	[hbm4b:s3+s2] =	stream.indirect_vreg.scatter [tilespmem:s0], [sflag:$0x1], $0x80, v4, vm0, $0xb8;
	[tilespmem:$0x10100] =	vst v63  }
0x7e: {  	v3 =	vperm.xlane v3, v2  }
0x7f: {  	[hbm4b:s4+s2] =	stream.indirect_vreg.scatter [tilespmem:s18], [sflag:$0x1], $0x80, v4, vm0, $0xb8;
	[tilespmem:$0x10100] =	vst v63  }
0x80: {  	v3 =	vadd.s32 v1, v3  }
0x81: {  	[hbm4b:s5+s2] =	stream.indirect_vreg.scatter [tilespmem:s19], [sflag:$0x1], $0x80, v4, vm0, $0xb8;
	[tilespmem:$0x10100] =	vst v63  }
0x82: {  	_ = 	snop  }
0x83: {  	[hbm4b:s6+s2] =	stream.indirect_vreg.scatter [tilespmem:s20], [sflag:$0x1], $0x80, v4, vm0, $0xb8;
	[tilespmem:$0x10100] =	vst v63  }
0x84: {  	_ = 	snop  }
0x85: {  	[hbm4b:s3+s2] =	stream.indirect_vreg.scatter [tilespmem:s21], [sflag:$0x1], $0x80, v3, vm0, $0xb8;
	[tilespmem:$0x10100] =	vst v63  }
0x86: {  	_ = 	snop  }
0x87: {  	[hbm4b:s4+s2] =	stream.indirect_vreg.scatter [tilespmem:s22], [sflag:$0x1], $0x80, v3, vm0, $0xb8;
	[tilespmem:$0x10100] =	vst v63  }
0x88: {  	_ = 	snop  }
0x89: {  	[hbm4b:s5+s2] =	stream.indirect_vreg.scatter [tilespmem:s23], [sflag:$0x1], $0x80, v3, vm0, $0xb8;
	[tilespmem:$0x10100] =	vst v63  }
0x8a: {  	_ = 	snop  }
0x8b: {  	[hbm4b:s6+s2] =	stream.indirect_vreg.scatter [tilespmem:s24], [sflag:$0x1], $0x80, v3, vm0, $0xb8;
	[tilespmem:$0x10100] =	vst v63  }
0x8c: {  	v3 =	vld [tilespmem:$0x90];
	_ =	sdelay $0x4  }
0x8d: {  	v61 =	vshll.u32 v3, $0x3  }
0x8e: {  	v3 =	vand.u32 $0x7, v3;
	v4 =	vand.u32 $0xFFFFFFC0, v61  }
0x8f: {  	v3 =	vor.u32 v3, v4  }
0x90: {  	v4 =	vperm.xlane v3, v0;
	_ =	sdelay $0x1  }
0x91: {  	v4 =	vadd.s32 v1, v4;
	_ =	sdelay $0x4  }
0x92: {  	[hbm4b:s3+s2] =	stream.indirect_vreg.scatter [tilespmem:s25], [sflag:$0x1], $0x80, v4, vm0, $0xb8;
	[tilespmem:$0x10100] =	vst v63  }
0x93: {  	v3 =	vperm.xlane v3, v2  }
0x94: {  	[hbm4b:s4+s2] =	stream.indirect_vreg.scatter [tilespmem:s26], [sflag:$0x1], $0x80, v4, vm0, $0xb8;
	[tilespmem:$0x10100] =	vst v63  }
0x95: {  	v3 =	vadd.s32 v1, v3  }
0x96: {  	[hbm4b:s5+s2] =	stream.indirect_vreg.scatter [tilespmem:s28], [sflag:$0x1], $0x80, v4, vm0, $0xb8;
	[tilespmem:$0x10100] =	vst v63  }
0x97: {  	_ = 	snop  }
0x98: {  	[hbm4b:s6+s2] =	stream.indirect_vreg.scatter [tilespmem:s29], [sflag:$0x1], $0x80, v4, vm0, $0xb8;
	[tilespmem:$0x10100] =	vst v63  }
0x99: {  	_ = 	snop  }
0x9a: {  	[hbm4b:s3+s2] =	stream.indirect_vreg.scatter [tilespmem:s30], [sflag:$0x1], $0x80, v3, vm0, $0xb8;
	[tilespmem:$0x10100] =	vst v63  }
0x9b: {  	_ = 	snop  }
0x9c: {  	[hbm4b:s4+s2] =	stream.indirect_vreg.scatter [tilespmem:s31], [sflag:$0x1], $0x80, v3, vm0, $0xb8;
	[tilespmem:$0x10100] =	vst v63  }
0x9d: {  	s18 =	simm.s32 $0x7100  }
0x9e: {  	[hbm4b:s5+s2] =	stream.indirect_vreg.scatter [tilespmem:s18], [sflag:$0x1], $0x80, v3, vm0, $0xb8;
	[tilespmem:$0x10100] =	vst v63  }
0x9f: {  	s19 =	simm.s32 $0x7900  }
0xa0: {  	[hbm4b:s6+s2] =	stream.indirect_vreg.scatter [tilespmem:s19], [sflag:$0x1], $0x80, v3, vm0, $0xb8;
	[tilespmem:$0x10100] =	vst v63  }
0xa1: {  	v3 =	vld [tilespmem:$0xA0];
	_ =	sdelay $0x4  }
0xa2: {  	v62 =	vshll.u32 v3, $0x3  }
0xa3: {  	v3 =	vand.u32 $0x7, v3;
	v4 =	vand.u32 $0xFFFFFFC0, v62  }
0xa4: {  	v3 =	vor.u32 v3, v4  }
0xa5: {  	v4 =	vperm.xlane v3, v0;
	_ =	sdelay $0x1  }
0xa6: {  	v4 =	vadd.s32 v1, v4;
	_ =	sdelay $0x4  }
0xa7: {  	[hbm4b:s3+s2] =	stream.indirect_vreg.scatter [tilespmem:s10], [sflag:$0x1], $0x80, v4, vm0, $0xb8;
	[tilespmem:$0x10100] =	vst v63  }
0xa8: {  	v3 =	vperm.xlane v3, v2  }
0xa9: {  	[hbm4b:s4+s2] =	stream.indirect_vreg.scatter [tilespmem:s11], [sflag:$0x1], $0x80, v4, vm0, $0xb8;
	[tilespmem:$0x10100] =	vst v63  }
0xaa: {  	v3 =	vadd.s32 v1, v3  }
0xab: {  	[hbm4b:s5+s2] =	stream.indirect_vreg.scatter [tilespmem:s12], [sflag:$0x1], $0x80, v4, vm0, $0xb8;
	[tilespmem:$0x10100] =	vst v63  }
0xac: {  	_ = 	snop  }
0xad: {  	[hbm4b:s6+s2] =	stream.indirect_vreg.scatter [tilespmem:s13], [sflag:$0x1], $0x80, v4, vm0, $0xb8;
	[tilespmem:$0x10100] =	vst v63  }
0xae: {  	_ = 	snop  }
0xaf: {  	[hbm4b:s3+s2] =	stream.indirect_vreg.scatter [tilespmem:s14], [sflag:$0x1], $0x80, v3, vm0, $0xb8;
	[tilespmem:$0x10100] =	vst v63  }
0xb0: {  	_ = 	snop  }
0xb1: {  	[hbm4b:s4+s2] =	stream.indirect_vreg.scatter [tilespmem:s15], [sflag:$0x1], $0x80, v3, vm0, $0xb8;
	[tilespmem:$0x10100] =	vst v63  }
0xb2: {  	_ = 	snop  }
0xb3: {  	[hbm4b:s5+s2] =	stream.indirect_vreg.scatter [tilespmem:s16], [sflag:$0x1], $0x80, v3, vm0, $0xb8;
	[tilespmem:$0x10100] =	vst v63  }
0xb4: {  	_ = 	snop  }
0xb5: {  	[hbm4b:s6+s2] =	stream.indirect_vreg.scatter [tilespmem:s17], [sflag:$0x1], $0x80, v3, vm0, $0xb8;
	[tilespmem:$0x10100] =	vst v63  }
0xb6: {  	v3 =	vld [tilespmem:$0xB0];
	_ =	sdelay $0x4  }
0xb7: {  	v63 =	vshll.u32 v3, $0x3  }
0xb8: {  	v3 =	vand.u32 $0x7, v3;
	v4 =	vand.u32 $0xFFFFFFC0, v63  }
0xb9: {  	v3 =	vor.u32 v3, v4  }
0xba: {  	v4 =	vperm.xlane v3, v0;
	_ =	sdelay $0x1  }
0xbb: {  	v4 =	vadd.s32 v1, v4;
	_ =	sdelay $0x4  }
0xbc: {  	[hbm4b:s3+s2] =	stream.indirect_vreg.scatter [tilespmem:s9], [sflag:$0x1], $0x80, v4, vm0, $0xb8;
	[tilespmem:$0x10100] =	vst v63  }
0xbd: {  	v3 =	vperm.xlane v3, v2;
	s9 =	simm.s32 $0xC900  }
0xbe: {  	[hbm4b:s4+s2] =	stream.indirect_vreg.scatter [tilespmem:s9], [sflag:$0x1], $0x80, v4, vm0, $0xb8;
	[tilespmem:$0x10100] =	vst v63  }
0xbf: {  	s18 =	simm.s32 $0xD100;
	v3 =	vadd.s32 v1, v3  }
0xc0: {  	[hbm4b:s5+s2] =	stream.indirect_vreg.scatter [tilespmem:s18], [sflag:$0x1], $0x80, v4, vm0, $0xb8;
	[tilespmem:$0x10100] =	vst v63  }
0xc1: {  	s19 =	simm.s32 $0xD900  }
0xc2: {  	[hbm4b:s6+s2] =	stream.indirect_vreg.scatter [tilespmem:s19], [sflag:$0x1], $0x80, v4, vm0, $0xb8;
	[tilespmem:$0x10100] =	vst v63  }
0xc3: {  	s9 =	simm.s32 $0xE100  }
0xc4: {  	[hbm4b:s3+s2] =	stream.indirect_vreg.scatter [tilespmem:s9], [sflag:$0x1], $0x80, v3, vm0, $0xb8;
	[tilespmem:$0x10100] =	vst v63  }
0xc5: {  	s18 =	simm.s32 $0xE900  }
0xc6: {  	[hbm4b:s4+s2] =	stream.indirect_vreg.scatter [tilespmem:s18], [sflag:$0x1], $0x80, v3, vm0, $0xb8;
	[tilespmem:$0x10100] =	vst v63  }
0xc7: {  	p0 =	sne.s32 s7, $0x1;
	s19 =	simm.s32 $0xF100  }
0xc8: {  	[hbm4b:s5+s2] =	stream.indirect_vreg.scatter [tilespmem:s19], [sflag:$0x1], $0x80, v3, vm0, $0xb8;
	[tilespmem:$0x10100] =	vst v63  }
.Ltmp0:
0xc9: {  	s1 =	simm.s32 $0xF900;
	(pc) =	sbr.rel @p0 .LBB2_1-.Ltmp0, $4  }
0xca: {  	[hbm4b:s6+s2] =	stream.indirect_vreg.scatter [tilespmem:s1], [sflag:$0x1], $0x80, v3, vm0, $0xb8;
	[tilespmem:$0x10100] =	vst v63  }
0xcb: {  	_ =	swait.ge [sflag:s8], $0x10000  }
0xcc: {  	[sflag:s8] =	ssyncset.done $0x0  }
0xcd: {  	s7 =	sadd.s32 $0xFFFFFFFF, s7;
	[sflag:s8] =	ssyncadd.s32 $0xFFFF0000  }
0xce: {  	_ =	sfence.sel $0x180000  }
0xcf: {  	[bflag:$0x0] =	sbarrier.arrive $0xFFFF  }
0xd0: {  	_ =	strace $0x90000047  }
0xd1: {  	s0 =	stileid.u32;
	[bflag:$0x2] =	sbarrier.arrive $0xFFFF  }
0xd2: {  	p0 =	sne.s32 s0, $0x0;
	s0 =	rddreg [dreg:$0x2]  }
0xd3: {  	s0 =	sadd.s32 @!p0 $0x100000, s0  }
0xd4: {  	[sflag:s0] =	ssyncadd.tile.s32 @!p0 $0x1;
	_ =	shalt  }
.Lfunc_end2:
_tile_overlayer_lowered:
.L_overlay_start_2:
0xd5: {  	(tag) =	ssettag $0x2  }
0xd6: {  	s0 =	rddreg [dreg:$0x0];
	s2 =	stileid.u32  }
0xd7: {  	s1 =	rddreg [dreg:$0x1];
	p0 =	sne.s32 s2, $0x0  }
0xd8: {  	s3 =	rddreg [dreg:$0x2];
	[bflag:$0x3] =	sbarrier.arrive $0xFFFF;
	s2 =	simm.s32 @!p0 $0x1C01  }
0xd9: {  	[timem:s3], [sflag:s2] =	dma.local @!p0 [hbm:s0], s1  }
0xda: {  	s0 =	simm.s32 @!p0 $0x1  }
0xdb: {  	_ =	swait.ge @!p0 [sflag:s0], s1  }
0xdc: {  	s1 =	ssub.s32 @!p0 $0x0, s1;
	[sflag:s0] =	ssyncset.done @!p0 $0x0  }
0xdd: {  	[sflag:s0] =	ssyncadd.s32 @!p0 s1  }
0xde: {  	[bflag:$0x3] =	sbarrier.arrive $0xFFFF  }
0xdf: {  	_ =	shalt  }

// kernel: kernel.9.cloned.1.call-start
scs
__scs_entry_jumppad:
0x0: {  	(pc) =	sbr.rel $0x88, $3  }
0x1: {  	(tag) =	ssettag $0x0;
	lr =	simm.s32 $0x1  }
0x2: {  	[smem:$0x3F9D] =	sst lr;
	_ =	strace $0xD0000000  }
0x3: {  	_ = 	snop  }
0x4: {  	_ = 	snop  }
0x5: {  	_ = 	snop  }
0x6: {  	_ = 	snop  }
0x7: {  	_ = 	snop  }
__scs_overlays_trampoline_lowered:
0x8: {  	[smem:$0x3FAC] =	sst s0  }
0x9: {  	[smem:$0x3FAD] =	sst s1  }
0xa: {  	[smem:$0x3FAE] =	sst s2  }
0xb: {  	[smem:$0x3FAF] =	sst s3  }
0xc: {  	[smem:$0x3FB0] =	sst s4  }
0xd: {  	[smem:$0x3FB1] =	sst s5  }
0xe: {  	[smem:$0x3FB2] =	sst s6  }
0xf: {  	[smem:$0x3FB3] =	sst s7  }
0x10: {  	[smem:$0x3FB4] =	sst s8  }
0x11: {  	[smem:$0x3FB5] =	sst s9;
	s0 =	simm.s32 @!p0 $0x0  }
0x12: {  	s1 =	sld [smem:$0x3F9B];
	s0 =	simm.s32 @p0 $0x1  }
0x13: {  	[smem:$0x3FB6] =	sst s0;
	s0 =	simm.s32 @!p1 $0x0  }
0x14: {  	s2 =	sld [smem:$0x3F9A];
	s0 =	simm.s32 @p1 $0x1  }
0x15: {  	[smem:$0x3FB7] =	sst s0;
	s0 =	simm.s32 @!p2 $0x0  }
0x16: {  	s3 =	sld [smem:$0x3FDB];
	s0 =	simm.s32 @p2 $0x1  }
0x17: {  	s4 =	simm.s32 $0x1BF5;
	[smem:$0x3FB9] =	sst s0  }
0x18: {  	s0 =	sld [smem:$0x3F9C];
	_ =	swait.ge [sflag:s4], $0x0  }
0x19: {  	s7 =	sld [smem:$0x3F9D]  }
0x1a: {  	s8 =	sadd.s32 $0xFFFFE003, lr  }
0x1b: {  	s9 =	sadd.s32 $0xFFFFFEF7, lr;
	s5 =	simm.s32 $0xFFFFFFFF;
	p2 =	slt.u32 s8, $0xFFFFF086  }
0x1c: {  	p1 =	slt.u32 s9, $0xF7A;
	s5 =	simm.s32 @!p2 $0x0  }
0x1d: {  	s5 =	simm.s32 @p1 $0x1;
	p0 =	seq.s32 s7, s2  }
0x1e: {  	s7 =	smul.u32 @!p0 $0xF7A, s2;
	p2 =	seq.s32 @!p0 s5, $0x0  }
0x1f: {  	s9 =	smul.u32 $0xF7A, s1;
	s8 =	simm.s32 @!p0 $0x1BF5;
	p2 =	por !p2, p0  }
0x20: {  	[sflag:s8] =	ssyncset.s32 @!p0 $0xFFFFF086;
	s6 =	sadd.s32 @!p0 s3, s7;
	s7 =	simm.s32 @!p0 $0x108  }
0x21: {  	s3 =	sadd.s32 s3, s9;
	s6 =	sadd.s32 @!p0 $0x88, s6;
	s7 =	simm.s32 @p2 $0x1082  }
0x22: {  	[simem:s7], [sflag:s8] =	dma.local @!p0 [hbm:s6], $0xF7A  }
0x23: {  	s9 =	sor.u32 $0xD0000000, s2;
	s6 =	simm.s32 $0x108;
	_ =	swait.ge @!p0 [sflag:s8], $0x0  }
0x24: {  	s3 =	sadd.s32 $0x88, s3;
	s6 =	simm.s32 @!p1 $0x1082;
	[sflag:s4] =	ssyncset.s32 $0xFFFFF086  }
0x25: {  	[simem:s6], [sflag:s4] =	dma.local [hbm:s3], $0xF7A  }
0x26: {  	[smem:$0x3F9D] =	sst s1;
	(tag) =	ssettag s2;
	_ =	strace s9  }
0x27: {  	s1 =	sld [smem:$0x3FAD]  }
0x28: {  	s2 =	sld [smem:$0x3FAE]  }
0x29: {  	s4 =	sld [smem:$0x3FB0]  }
0x2a: {  	p0 =	seq.s32 s5, $0x0;
	s5 =	sld [smem:$0x3FB1]  }
0x2b: {  	s6 =	sld [smem:$0x3FB2]  }
0x2c: {  	s7 =	sld [smem:$0x3FB3]  }
0x2d: {  	s3 =	simm.s32 $0x108;
	s8 =	sld [smem:$0x3FB4]  }
0x2e: {  	s3 =	simm.s32 @!p0 $0x1082;
	s9 =	sld [smem:$0x3FB5]  }
0x2f: {  	lr =	sadd.s32 s0, s3;
	s0 =	sld [smem:$0x3FAC]  }
0x30: {  	s3 =	sld [smem:$0x3FAF]  }
0x31: {  	[smem:$0x3FB8] =	sst s10  }
0x32: {  	s10 =	sld [smem:$0x3FB6];
	_ =	sdelay $0x3  }
0x33: {  	p0 =	seq.s32 s10, $0x1;
	s10 =	sld [smem:$0x3FB8];
	_ =	sdelay $0x3  }
0x34: {  	[smem:$0x3FB8] =	sst s10  }
0x35: {  	s10 =	sld [smem:$0x3FB7];
	_ =	sdelay $0x3  }
0x36: {  	p1 =	seq.s32 s10, $0x1;
	s10 =	sld [smem:$0x3FB8];
	_ =	sdelay $0x3  }
0x37: {  	[smem:$0x3FB8] =	sst s10  }
0x38: {  	s10 =	sld [smem:$0x3FB9]  }
0x39: {  	_ = 	snop;
	(pc) =	sbr.ind lr, $3  }
0x3a: {  	_ = 	snop  }
0x3b: {  	_ = 	snop  }
0x3c: {  	p2 =	seq.s32 s10, $0x1;
	s10 =	sld [smem:$0x3FB8]  }
0x3d: {  	_ =	shalt  }
0x3e: {  	_ =	shalt  }
0x3f: {  	_ =	shalt  }
0x40: {  	_ =	shalt  }
0x41: {  	_ =	shalt  }
0x42: {  	_ =	shalt  }
0x43: {  	_ =	shalt  }
0x44: {  	_ =	shalt  }
0x45: {  	_ =	shalt  }
0x46: {  	_ =	shalt  }
0x47: {  	_ =	shalt  }
0x48: {  	_ =	shalt  }
0x49: {  	_ =	shalt  }
0x4a: {  	_ =	shalt  }
0x4b: {  	_ =	shalt  }
0x4c: {  	_ =	shalt  }
0x4d: {  	_ =	shalt  }
0x4e: {  	_ =	shalt  }
0x4f: {  	_ =	shalt  }
0x50: {  	_ =	shalt  }
0x51: {  	_ =	shalt  }
0x52: {  	_ =	shalt  }
0x53: {  	_ =	shalt  }
0x54: {  	_ =	shalt  }
0x55: {  	_ =	shalt  }
0x56: {  	_ =	shalt  }
0x57: {  	_ =	shalt  }
0x58: {  	_ =	shalt  }
0x59: {  	_ =	shalt  }
0x5a: {  	_ =	shalt  }
0x5b: {  	_ =	shalt  }
0x5c: {  	_ =	shalt  }
0x5d: {  	_ =	shalt  }
0x5e: {  	_ =	shalt  }
0x5f: {  	_ =	shalt  }
0x60: {  	_ =	shalt  }
0x61: {  	_ =	shalt  }
0x62: {  	_ =	shalt  }
0x63: {  	_ =	shalt  }
0x64: {  	_ =	shalt  }
0x65: {  	_ =	shalt  }
0x66: {  	_ =	shalt  }
0x67: {  	_ =	shalt  }
0x68: {  	_ =	shalt  }
0x69: {  	_ =	shalt  }
0x6a: {  	_ =	shalt  }
0x6b: {  	_ =	shalt  }
0x6c: {  	_ =	shalt  }
0x6d: {  	_ =	shalt  }
0x6e: {  	_ =	shalt  }
0x6f: {  	_ =	shalt  }
0x70: {  	_ =	shalt  }
0x71: {  	_ =	shalt  }
0x72: {  	_ =	shalt  }
0x73: {  	_ =	shalt  }
0x74: {  	_ =	shalt  }
0x75: {  	_ =	shalt  }
0x76: {  	_ =	shalt  }
0x77: {  	_ =	shalt  }
0x78: {  	_ =	shalt  }
0x79: {  	_ =	shalt  }
0x7a: {  	_ =	shalt  }
0x7b: {  	_ =	shalt  }
0x7c: {  	_ =	shalt  }
0x7d: {  	_ =	shalt  }
0x7e: {  	_ =	shalt  }
0x7f: {  	_ =	shalt  }
0x80: {  	_ =	shalt  }
0x81: {  	_ =	shalt  }
0x82: {  	_ =	shalt  }
0x83: {  	_ =	shalt  }
0x84: {  	_ =	shalt  }
0x85: {  	_ =	shalt  }
0x86: {  	_ =	shalt  }
0x87: {  	_ =	shalt  }
.Lfunc_end0:
.L_simem_size_0:
called_computation.1_lowered:
.L_overlay_start_0:
0x88: {  	s2 =	sld [smem:$0x3FD9]  }
0x89: {  	s3 =	sld [smem:$0x3FFE];
	_ =	sdelay $0x1  }
0x8a: {  	s1 =	srdreg.scid  }
0x8b: {  	s0 =	sand.u32 $0x1, s1  }
0x8c: {  	s17 =	sshll.u32 s0, $0xA;
	s2 =	sadd.s32 s3, s2  }
0x8d: {  	s2 =	sadd.s32 s2, s17  }
0x8e: {  	[smem:$0x3FC4] =	sst s2  }
0x8f: {  	_ = 	snop  }
0x90: {  	s2 =	sld [smem:$0x3FD0];
	(tm) =	ssettm $0x1  }
0x91: {  	s18 =	sld [smem:$0x3FFB];
	_ =	sdelay $0x3  }
0x92: {  	_ =	strace s18  }
0x93: {  	s3 =	sld [smem:$0x3FFC];
	_ =	sdelay $0x3  }
0x94: {  	_ =	strace s3  }
0x95: {  	s3 =	sld [smem:$0x3FFD];
	_ =	sdelay $0x3  }
0x96: {  	_ =	strace s3  }
0x97: {  	_ =	strace $0x8FFFFFFF  }
0x98: {  	s19 =	sld [smem:$0x3FDB];
	_ =	sdelay $0x1  }
0x99: {  	s4 =	simm.s32 $_scs_section_size  }
0x9a: {  	s5 =	simm.s32 $_size__tile_overlayer_lowered;
	s6 =	simm.s32 $_tile_overlayer_lowered  }
0x9b: {  	s22 =	simm.s32 $0x1BFF;
	s21 =	sshll.u32 s6, $0x1;
	s3 =	sadd.s32 s4, s19  }
0x9c: {  	s7 =	simm.s32 $0x0;
	s20 =	sshll.u32 s5, $0x1;
	s5 =	sadd.s32 s21, s3  }
0x9d: {  	[timem:s7], [sflag:s22] =	dma.local [hbm:s5], s20  }
0x9e: {  	_ =	swait.ge [sflag:s22], s20  }
0x9f: {  	s4 =	ssub.s32 $0x0, s20;
	[sflag:s22] =	ssyncset.done $0x0  }
0xa0: {  	[sflag:s22] =	ssyncadd.s32 s4;
	_ =	sdelay $0x1  }
0xa1: {  	s23 =	simm.s32 $0x1B8B  }
0xa2: {  	_ =	swait.ge [sflag:s23], $0x1  }
0xa3: {  	[sflag:s23] =	ssyncset.done $0x0  }
0xa4: {  	s25 =	simm.s32 $0x1B8E;
	s24 =	sld [smem:$0x3FFE];
	[sflag:s23] =	ssyncadd.s32 $0xFFFFFFFF  }
0xa5: {  	s26 =	simm.s32 $execute0_lowered;
	[smem:$0x3FD2] =	sst s25  }
0xa6: {  	s5 =	sshll.u32 s26, $0x1;
	_ =	strace $0x80000049;
	[dreg:$0x1] =	wrdreg $0xFFFFFFFF  }
0xa7: {  	s28 =	simm.s32 $_size_execute0_lowered;
	s3 =	sadd.s32 s3, s5;
	[dreg:$0x0] =	wrdreg $0x0  }
0xa8: {  	s5 =	sshll.u32 s28, $0x1;
	[dreg:$0x2] =	wrdreg s3  }
0xa9: {  	[dreg:$0x3] =	wrdreg s5  }
0xaa: {  	[dreg:$0x4] =	wrdreg $0xC0  }
0xab: {  	_ =	task [dreg:s7], $0x5FFFF  }
0xac: {  	[dreg:$0x1] =	wrdreg $0xFFFFFFFF  }
0xad: {  	[dreg:$0x0] =	wrdreg $0x60  }
0xae: {  	[dreg:$0x2] =	wrdreg s24  }
0xaf: {  	[dreg:$0x3] =	wrdreg s2  }
0xb0: {  	[dreg:$0x4] =	wrdreg $0x9  }
0xb1: {  	_ =	task.clear_ibuf [dreg:s7], $0x5FFFF;
	_ =	strace $0x90000049  }
0xb2: {  	s29 =	simm.s32 $0x9;
	_ =	strace $0x8000004B  }
0xb3: {  	_ =	swait.ge [sflag:s29], $0x1  }
0xb4: {  	[sflag:s29] =	ssyncadd.s32 $0xFFFFFFFF  }
0xb5: {  	_ =	strace $0x9000004B  }
0xb6: {  	_ =	sfence  }
0xb7: {  	s30 =	sld [smem:$0x0];
	_ =	sdelay $0x2  }
0xb8: {  	s31 =	sshll.u32 s1, $0xD;
	s1 =	sshrl.u32 s1, $0x2  }
0xb9: {  	s3 =	sand.u32 $0x4000, s31;
	s1 =	sadd.s32 s1, s30  }
0xba: {  	s0 =	sor.u32 s3, s0;
	s1 =	sshll.u32 s1, $0x11  }
0xbb: {  	s0 =	sor.u32 s1, s0  }
0xbc: {  	s0 =	sadd.s32 $0x8F2B, s0  }
0xbd: {  	[sflag:s0] =	ssyncadd.remote.s32 $0x1  }
0xbe: {  	_ =	sfence.sel $0xFFFF  }
0xbf: {  	[dreg:$0x0] =	wrdreg $0xFFFFFFFF;
	(pc) =	sbr.abs _section_cstart, $3  }
0xc0: {  	[dreg:$0x1] =	wrdreg $0xFFFFFFFF  }
0xc1: {  	_ =	task.clear_ibuf [dreg:s7], $0x2FFFF;
	_ =	strace $0x9FFFFFFF  }
0xc2: {  	(tm) =	ssettm $0x7FFFFFFF  }
0xc3: {  	_ =	shalt  }
tec
execute0_lowered:
.L_overlay_start_1:
0x0: {  	(tag) =	ssettag $0x1  }
0x1: {  	s0 =	rddreg [dreg:$0x0]  }
0x2: {  	s1 =	simm.s32 $0x0;
	s25 =	srdreg.scid;
	s9 =	stileid.u32  }
0x3: {  	s14 =	simm.s32 $0x1;
	s18 =	simm.s32 $0x100;
	s19 =	simm.s32 $0xA900  }
0x4: {  	s20 =	simm.s32 $0xB100;
	s21 =	simm.s32 $0xB900;
	s22 =	simm.s32 $0xC100  }
0x5: {  	s23 =	simm.s32 $0xC900;
	s24 =	simm.s32 $0xD100;
	s28 =	simm.s32 $0xE900  }
0x6: {  	s29 =	simm.s32 $0xF100;
	s30 =	simm.s32 $0xF900;
	[smem:$0x7FF] =	sst s1  }
0x7: {  	s3 =	sadd.s32 $0xD0C00, s0;
	s4 =	sadd.s32 $0x10600, s0;
	s1 =	sand.u32 $0x1, s25  }
0x8: {  	s6 =	sadd.s32 $0x10800, s0;
	s7 =	sadd.s32 $0x600, s0;
	s8 =	sadd.s32 $0x8600, s0  }
0x9: {  	s26 =	sshll.u32 s9, $0x7;
	s10 =	sadd.s32 $0xD0D00, s0;
	s2 =	ssub.s32 $0x2, s1  }
0xa: {  	s11 =	sadd.s32 $0xD0E00, s0;
	s12 =	sadd.s32 $0xD0F00, s0;
	s5 =	sshrl.u32 s2, $0x1  }
0xb: {  	v2 =	vlaneseq.u32;
	s25 =	simm.s32 $0xD900;
	s1 =	sshll.u32 s1, $0x6;
	s2 =	ssub.s32 s2, s5  }
0xc: {  	vm0 =	vmmov $0xffff;
	v1 =	vshrl.u32 v2, $0x3;
	_ =	strace $0x8000004A;
	s9 =	sor.u32 s1, s26;
	s31 =	smax.u32 s2, $0x1  }
0xd: {  	v0 =	vand.u32 $0x7, v2;
	v2 =	vor.u32 $0x8, v2;
	v1 =	vmul.u32 $0x8, v1;
	s26 =	simm.s32 $0xE100;
	s1 =	simm.s32 $0x0;
	[dreg:$0x3] =	wrdreg s31  }
.LBB2_1:
0xe: {  	[dreg:$0x4] =	wrdreg s1;
	p0 =	por $0x1, $0x1;
	s0 =	simm.s32 $0x0  }
.LBB2_2:
0xf: {  	s31 =	sor.u32 s9, s0  }
0x10: {  	s1 =	sshrl.u32 s31, $0x3  }
0x11: {  	s0 =	simm.s32 $0x0;
	s2 =	sadd.s32 s4, s1  }
0x12: {  	[tilespmem:s0], [sflag:$0x1] =	stream.linear.gather [hbm4b:s2+s0], $0x20, $0x38;
	[tilespmem:$0x12100] =	vst v63  }
0x13: {  	_ =	swait.ge [sflag:s14], $0x20  }
0x14: {  	[sflag:s14] =	ssyncset.done $0x0  }
0x15: {  	s16 =	simm.s32 $0x80;
	s1 =	sadd.s32 s6, s1;
	[sflag:s14] =	ssyncadd.s32 $0xFFFFFFE0  }
0x16: {  	[tilespmem:s16], [sflag:$0x1] =	stream.linear.gather [hbm4b:s1+s0], $0x20, $0x38;
	[tilespmem:$0x12100] =	vst v63  }
0x17: {  	_ =	swait.ge [sflag:s14], $0x20  }
0x18: {  	s17 =	sshll.u32 s31, $0x4;
	[sflag:s14] =	ssyncset.done $0x0  }
0x19: {  	s5 =	simm.s32 $0x10100;
	s13 =	sadd.s32 s7, s17;
	[sflag:s14] =	ssyncadd.s32 $0xFFFFFFE0  }
0x1a: {  	[tilespmem:s5], [sflag:$0x1] =	stream.linear.gather [hbm4b:s13+s0], $0x1000, $0x38;
	[tilespmem:$0x12100] =	vst v63  }
0x1b: {  	_ =	swait.ge [sflag:s14], $0x1000  }
0x1c: {  	[sflag:s14] =	ssyncset.done $0x0  }
0x1d: {  	s15 =	simm.s32 $0x11100;
	s1 =	sadd.s32 s8, s17;
	[sflag:s14] =	ssyncadd.s32 $0xFFFFF000  }
0x1e: {  	[tilespmem:s15], [sflag:$0x1] =	stream.linear.gather [hbm4b:s1+s0], $0x1000, $0x38;
	[tilespmem:$0x12100] =	vst v63  }
0x1f: {  	_ =	swait.ge [sflag:s14], $0x1000  }
0x20: {  	[sflag:s14] =	ssyncset.done $0x0  }
0x21: {  	[sflag:s14] =	ssyncadd.s32 $0xFFFFF000  }
0x22: {  	v3 =	vld [tilespmem:$0x0];
	_ =	sdelay $0x4  }
0x23: {  	v4 =	vshll.u32 v3, $0x3  }
0x24: {  	v3 =	vand.u32 $0x7, v3;
	v4 =	vand.u32 $0xFFFFFFC0, v4  }
0x25: {  	v3 =	vor.u32 v3, v4  }
0x26: {  	v4 =	vperm.xlane v3, v0;
	_ =	sdelay $0x1  }
0x27: {  	v4 =	vadd.s32 v1, v4;
	_ =	sdelay $0x4  }
0x28: {  	[tilespmem:s18], [sflag:$0x1] =	stream.indirect_vreg.gather [hbm4b:s3+s0], $0x80, v4, vm0, $0xb8;
	[tilespmem:$0x12100] =	vst v63  }
0x29: {  	s16 =	simm.s32 $0x900;
	v3 =	vperm.xlane v3, v2  }
0x2a: {  	[tilespmem:s16], [sflag:$0x1] =	stream.indirect_vreg.gather [hbm4b:s10+s0], $0x80, v4, vm0, $0xb8;
	[tilespmem:$0x12100] =	vst v63  }
0x2b: {  	s17 =	simm.s32 $0x1100;
	v3 =	vadd.s32 v1, v3  }
0x2c: {  	[tilespmem:s17], [sflag:$0x1] =	stream.indirect_vreg.gather [hbm4b:s11+s0], $0x80, v4, vm0, $0xb8;
	[tilespmem:$0x12100] =	vst v63  }
0x2d: {  	s2 =	simm.s32 $0x1900  }
0x2e: {  	[tilespmem:s2], [sflag:$0x1] =	stream.indirect_vreg.gather [hbm4b:s12+s0], $0x80, v4, vm0, $0xb8;
	[tilespmem:$0x12100] =	vst v63  }
0x2f: {  	s5 =	simm.s32 $0x2100  }
0x30: {  	[tilespmem:s5], [sflag:$0x1] =	stream.indirect_vreg.gather [hbm4b:s3+s0], $0x80, v3, vm0, $0xb8;
	[tilespmem:$0x12100] =	vst v63  }
0x31: {  	s13 =	simm.s32 $0x2900  }
0x32: {  	[tilespmem:s13], [sflag:$0x1] =	stream.indirect_vreg.gather [hbm4b:s10+s0], $0x80, v3, vm0, $0xb8;
	[tilespmem:$0x12100] =	vst v63  }
0x33: {  	s15 =	simm.s32 $0x3100  }
0x34: {  	[tilespmem:s15], [sflag:$0x1] =	stream.indirect_vreg.gather [hbm4b:s11+s0], $0x80, v3, vm0, $0xb8;
	[tilespmem:$0x12100] =	vst v63  }
0x35: {  	s16 =	simm.s32 $0x3900  }
0x36: {  	[tilespmem:s16], [sflag:$0x1] =	stream.indirect_vreg.gather [hbm4b:s12+s0], $0x80, v3, vm0, $0xb8;
	[tilespmem:$0x12100] =	vst v63  }
0x37: {  	v3 =	vld [tilespmem:$0x10];
	_ =	sdelay $0x4  }
0x38: {  	v61 =	vshll.u32 v3, $0x3  }
0x39: {  	v3 =	vand.u32 $0x7, v3;
	v4 =	vand.u32 $0xFFFFFFC0, v61  }
0x3a: {  	v3 =	vor.u32 v3, v4  }
0x3b: {  	v4 =	vperm.xlane v3, v0;
	_ =	sdelay $0x1  }
0x3c: {  	v4 =	vadd.s32 v1, v4;
	_ =	sdelay $0x3  }
0x3d: {  	s17 =	simm.s32 $0x4100  }
0x3e: {  	[tilespmem:s17], [sflag:$0x1] =	stream.indirect_vreg.gather [hbm4b:s3+s0], $0x80, v4, vm0, $0xb8;
	[tilespmem:$0x12100] =	vst v63  }
0x3f: {  	s2 =	simm.s32 $0x4900;
	v3 =	vperm.xlane v3, v2  }
0x40: {  	[tilespmem:s2], [sflag:$0x1] =	stream.indirect_vreg.gather [hbm4b:s10+s0], $0x80, v4, vm0, $0xb8;
	[tilespmem:$0x12100] =	vst v63  }
0x41: {  	s5 =	simm.s32 $0x5100;
	v3 =	vadd.s32 v1, v3  }
0x42: {  	[tilespmem:s5], [sflag:$0x1] =	stream.indirect_vreg.gather [hbm4b:s11+s0], $0x80, v4, vm0, $0xb8;
	[tilespmem:$0x12100] =	vst v63  }
0x43: {  	s13 =	simm.s32 $0x5900  }
0x44: {  	[tilespmem:s13], [sflag:$0x1] =	stream.indirect_vreg.gather [hbm4b:s12+s0], $0x80, v4, vm0, $0xb8;
	[tilespmem:$0x12100] =	vst v63  }
0x45: {  	s15 =	simm.s32 $0x6100  }
0x46: {  	[tilespmem:s15], [sflag:$0x1] =	stream.indirect_vreg.gather [hbm4b:s3+s0], $0x80, v3, vm0, $0xb8;
	[tilespmem:$0x12100] =	vst v63  }
0x47: {  	s16 =	simm.s32 $0x6900  }
0x48: {  	[tilespmem:s16], [sflag:$0x1] =	stream.indirect_vreg.gather [hbm4b:s10+s0], $0x80, v3, vm0, $0xb8;
	[tilespmem:$0x12100] =	vst v63  }
0x49: {  	s17 =	simm.s32 $0x7100  }
0x4a: {  	[tilespmem:s17], [sflag:$0x1] =	stream.indirect_vreg.gather [hbm4b:s11+s0], $0x80, v3, vm0, $0xb8;
	[tilespmem:$0x12100] =	vst v63  }
0x4b: {  	s2 =	simm.s32 $0x7900  }
0x4c: {  	[tilespmem:s2], [sflag:$0x1] =	stream.indirect_vreg.gather [hbm4b:s12+s0], $0x80, v3, vm0, $0xb8;
	[tilespmem:$0x12100] =	vst v63  }
0x4d: {  	_ =	swait.ge [sflag:s14], $0x8000  }
0x4e: {  	[sflag:s14] =	ssyncset.done $0x0  }
0x4f: {  	[sflag:s14] =	ssyncadd.s32 $0xFFFF8000  }
0x50: {  	v3 =	vld [tilespmem:$0x80];
	_ =	sdelay $0x4  }
0x51: {  	v62 =	vshll.u32 v3, $0x3  }
0x52: {  	v3 =	vand.u32 $0x7, v3;
	v4 =	vand.u32 $0xFFFFFFC0, v62  }
0x53: {  	v3 =	vor.u32 v3, v4  }
0x54: {  	v4 =	vperm.xlane v3, v0;
	_ =	sdelay $0x1  }
0x55: {  	v4 =	vadd.s32 v1, v4;
	_ =	sdelay $0x3  }
0x56: {  	s5 =	simm.s32 $0x8100  }
0x57: {  	[tilespmem:s5], [sflag:$0x1] =	stream.indirect_vreg.gather [hbm4b:s3+s0], $0x80, v4, vm0, $0xb8;
	[tilespmem:$0x12100] =	vst v63  }
0x58: {  	s13 =	simm.s32 $0x8900;
	v3 =	vperm.xlane v3, v2  }
0x59: {  	[tilespmem:s13], [sflag:$0x1] =	stream.indirect_vreg.gather [hbm4b:s10+s0], $0x80, v4, vm0, $0xb8;
	[tilespmem:$0x12100] =	vst v63  }
0x5a: {  	s15 =	simm.s32 $0x9100;
	v3 =	vadd.s32 v1, v3  }
0x5b: {  	[tilespmem:s15], [sflag:$0x1] =	stream.indirect_vreg.gather [hbm4b:s11+s0], $0x80, v4, vm0, $0xb8;
	[tilespmem:$0x12100] =	vst v63  }
0x5c: {  	s16 =	simm.s32 $0x9900  }
0x5d: {  	[tilespmem:s16], [sflag:$0x1] =	stream.indirect_vreg.gather [hbm4b:s12+s0], $0x80, v4, vm0, $0xb8;
	[tilespmem:$0x12100] =	vst v63  }
0x5e: {  	s17 =	simm.s32 $0xA100  }
0x5f: {  	[tilespmem:s17], [sflag:$0x1] =	stream.indirect_vreg.gather [hbm4b:s3+s0], $0x80, v3, vm0, $0xb8;
	[tilespmem:$0x12100] =	vst v63  }
0x60: {  	_ = 	snop  }
0x61: {  	[tilespmem:s19], [sflag:$0x1] =	stream.indirect_vreg.gather [hbm4b:s10+s0], $0x80, v3, vm0, $0xb8;
	[tilespmem:$0x12100] =	vst v63  }
0x62: {  	_ = 	snop  }
0x63: {  	[tilespmem:s20], [sflag:$0x1] =	stream.indirect_vreg.gather [hbm4b:s11+s0], $0x80, v3, vm0, $0xb8;
	[tilespmem:$0x12100] =	vst v63  }
0x64: {  	_ = 	snop  }
0x65: {  	[tilespmem:s21], [sflag:$0x1] =	stream.indirect_vreg.gather [hbm4b:s12+s0], $0x80, v3, vm0, $0xb8;
	[tilespmem:$0x12100] =	vst v63  }
0x66: {  	v3 =	vld [tilespmem:$0x90];
	_ =	sdelay $0x4  }
0x67: {  	v63 =	vshll.u32 v3, $0x3  }
0x68: {  	v3 =	vand.u32 $0x7, v3;
	v4 =	vand.u32 $0xFFFFFFC0, v63  }
0x69: {  	v3 =	vor.u32 v3, v4  }
0x6a: {  	v4 =	vperm.xlane v3, v0;
	_ =	sdelay $0x1  }
0x6b: {  	v4 =	vadd.s32 v1, v4;
	_ =	sdelay $0x4  }
0x6c: {  	[tilespmem:s22], [sflag:$0x1] =	stream.indirect_vreg.gather [hbm4b:s3+s0], $0x80, v4, vm0, $0xb8;
	[tilespmem:$0x12100] =	vst v63  }
0x6d: {  	v3 =	vperm.xlane v3, v2  }
0x6e: {  	[tilespmem:s23], [sflag:$0x1] =	stream.indirect_vreg.gather [hbm4b:s10+s0], $0x80, v4, vm0, $0xb8;
	[tilespmem:$0x12100] =	vst v63  }
0x6f: {  	v3 =	vadd.s32 v1, v3  }
0x70: {  	[tilespmem:s24], [sflag:$0x1] =	stream.indirect_vreg.gather [hbm4b:s11+s0], $0x80, v4, vm0, $0xb8;
	[tilespmem:$0x12100] =	vst v63  }
0x71: {  	_ = 	snop  }
0x72: {  	[tilespmem:s25], [sflag:$0x1] =	stream.indirect_vreg.gather [hbm4b:s12+s0], $0x80, v4, vm0, $0xb8;
	[tilespmem:$0x12100] =	vst v63  }
0x73: {  	_ = 	snop  }
0x74: {  	[tilespmem:s26], [sflag:$0x1] =	stream.indirect_vreg.gather [hbm4b:s3+s0], $0x80, v3, vm0, $0xb8;
	[tilespmem:$0x12100] =	vst v63  }
0x75: {  	_ = 	snop  }
0x76: {  	[tilespmem:s28], [sflag:$0x1] =	stream.indirect_vreg.gather [hbm4b:s10+s0], $0x80, v3, vm0, $0xb8;
	[tilespmem:$0x12100] =	vst v63  }
0x77: {  	_ = 	snop  }
0x78: {  	[tilespmem:s29], [sflag:$0x1] =	stream.indirect_vreg.gather [hbm4b:s11+s0], $0x80, v3, vm0, $0xb8;
	[tilespmem:$0x12100] =	vst v63  }
0x79: {  	_ = 	snop  }
0x7a: {  	[tilespmem:s30], [sflag:$0x1] =	stream.indirect_vreg.gather [hbm4b:s12+s0], $0x80, v3, vm0, $0xb8;
	[tilespmem:$0x12100] =	vst v63  }
0x7b: {  	_ =	swait.ge [sflag:s14], $0x8000  }
0x7c: {  	[sflag:s14] =	ssyncset.done $0x0  }
0x7d: {  	p1 =	por p0, p0;
	s5 =	simm.s32 $0x0;
	[sflag:s14] =	ssyncadd.s32 $0xFFFF8000  }
.LBB2_3:
0x7e: {  	s1 =	sshll.u32 s5, $0x7;
	s2 =	sshll.u32 s5, $0xA  }
0x7f: {  	s2 =	sand.u32 $0x6000, s2;
	s13 =	sand.u32 $0x380, s1  }
0x80: {  	s17 =	sand.u32 $0x1C00, s0;
	s13 =	sor.u32 s2, s13  }
0x81: {  	s15 =	sand.u32 $0x70, s0;
	v3 =	vld [tilespmem:s1+$0x10100];
	s2 =	sor.u32 s17, s13  }
0x82: {  	v4 =	vld [tilespmem:s1+$0x11100];
	s1 =	sor.u32 s15, s2  }
0x83: {  	v5 =	vld [tilespmem:s1+$0x8100]  }
0x84: {  	v6 =	vld [tilespmem:s1+$0x100];
	_ =	sdelay $0x4  }
0x85: {  	s2 =	simm.s32 $0x80;
	v6 =	vmul.f32 v6, v3;
	v5 =	vmul.f32 v5, v4  }
0x86: {  	s16 =	simm.s32 $0x10;
	s17 =	sand.u32 $0x1C00, s2  }
0x87: {  	s16 =	sand.u32 $0x70, s16;
	s15 =	simm.s32 $0x20;
	s17 =	sor.u32 s17, s13;
	v5 =	vadd.f32 v5, v6  }
.LBB2_4:
0x88: {  	p0 =	sne.s32 s15, $0x3F0;
	s16 =	sor.u32 s16, s17  }
0x89: {  	v6 =	vld [tilespmem:s16+$0x8100];
	[tilespmem:s1+$0x100] =	vst v5;
	s1 =	smov.u32 s16  }
0x8a: {  	v5 =	vld [tilespmem:s1+$0x100];
	_ =	sdelay $0x2  }
.Ltmp0:
0x8b: {  	(pc) =	sbr.rel @p0 .LBB2_4-.Ltmp0, $4  }
0x8c: {  	_ = 	snop  }
0x8d: {  	s2 =	sadd.s32 $0x80, s2;
	v6 =	vmul.f32 v6, v4;
	v5 =	vmul.f32 v5, v3  }
0x8e: {  	s17 =	sand.u32 $0x1C00, s2  }
0x8f: {  	s16 =	sand.u32 $0x70, s15;
	s15 =	sadd.s32 $0x10, s15;
	s17 =	sor.u32 s17, s13;
	v5 =	vadd.f32 v6, v5  }
0x90: {  	s2 =	sor.u32 s16, s17  }
0x91: {  	v6 =	vld [tilespmem:s2+$0x8100];
	[tilespmem:s1+$0x100] =	vst v5  }
0x92: {  	v5 =	vld [tilespmem:s2+$0x100];
	_ =	sdelay $0x2  }
0x93: {  	s5 =	sadd.s32 $0x1, s5  }
0x94: {  	p0 =	sne.s32 s5, $0x20  }
.Ltmp1:
0x95: {  	v4 =	vmul.f32 v6, v4;
	v3 =	vmul.f32 v5, v3;
	(pc) =	sbr.rel @p0 .LBB2_3-.Ltmp1, $3  }
0x96: {  	_ = 	snop  }
0x97: {  	v3 =	vadd.f32 v4, v3;
	_ =	sdelay $0x1  }
0x98: {  	[tilespmem:s2+$0x100] =	vst v3  }
0x99: {  	s0 =	sshll.u32 s31, $0x7;
	s1 =	rddreg [dreg:$0x1]  }
.Ltmp2:
0x9a: {  	s31 =	simm.s32 $0x0;
	s0 =	sadd.s32 s1, s0;
	(pc) =	sbr.rel @p1 .LBB2_2-.Ltmp2, $4  }
0x9b: {  	[hbm4b:s0+s31] =	stream.linear.scatter [tilespmem:s18], [sflag:$0x1], $0x8000, $0x38;
	[tilespmem:$0x12100] =	vst v63  }
0x9c: {  	_ =	swait.ge [sflag:s14], $0x8000  }
0x9d: {  	[sflag:s14] =	ssyncset.done $0x0  }
0x9e: {  	p0 =	por $0x0, $0x0;
	s0 =	simm.s32 $0x20;
	[sflag:s14] =	ssyncadd.s32 $0xFFFF8000  }
0x9f: {  	s1 =	rddreg [dreg:$0x4]  }
0xa0: {  	s0 =	rddreg [dreg:$0x3];
	s1 =	sadd.s32 $0x1, s1  }
0xa1: {  	p0 =	sne.s32 s1, s0  }
.Ltmp3:
0xa2: {  	_ = 	snop;
	(pc) =	sbr.rel @p0 .LBB2_1-.Ltmp3, $1  }
0xa3: {  	_ =	sdelay $0x3  }
0xa4: {  	_ =	sfence.sel $0x180000  }
0xa5: {  	[bflag:$0x0] =	sbarrier.arrive $0xFFFF  }
0xa6: {  	_ =	strace $0x9000004A  }
0xa7: {  	s0 =	stileid.u32;
	[bflag:$0x2] =	sbarrier.arrive $0xFFFF  }
0xa8: {  	p0 =	sne.s32 s0, $0x0;
	s0 =	rddreg [dreg:$0x2]  }
0xa9: {  	s0 =	sadd.s32 @!p0 $0x100000, s0  }
0xaa: {  	[sflag:s0] =	ssyncadd.tile.s32 @!p0 $0x1;
	_ =	shalt  }
.Lfunc_end2:
_tile_overlayer_lowered:
.L_overlay_start_2:
0xab: {  	(tag) =	ssettag $0x2  }
0xac: {  	s0 =	rddreg [dreg:$0x0];
	s2 =	stileid.u32  }
0xad: {  	s1 =	rddreg [dreg:$0x1];
	p0 =	sne.s32 s2, $0x0  }
0xae: {  	s3 =	rddreg [dreg:$0x2];
	[bflag:$0x3] =	sbarrier.arrive $0xFFFF;
	s2 =	simm.s32 @!p0 $0x1C01  }
0xaf: {  	[timem:s3], [sflag:s2] =	dma.local @!p0 [hbm:s0], s1  }
0xb0: {  	s0 =	simm.s32 @!p0 $0x1  }
0xb1: {  	_ =	swait.ge @!p0 [sflag:s0], s1  }
0xb2: {  	s1 =	ssub.s32 @!p0 $0x0, s1;
	[sflag:s0] =	ssyncset.done @!p0 $0x0  }
0xb3: {  	[sflag:s0] =	ssyncadd.s32 @!p0 s1  }
0xb4: {  	[bflag:$0x3] =	sbarrier.arrive $0xFFFF  }
0xb5: {  	_ =	shalt  }

</sc_bundles>
